<compile_context>
chip_gen: v7x
topology: tpu7x:2x2x1
jax: 0.10.2.dev20260603
libtpu: 0.0.44.dev20260713+nightly
codegen_flags: <defaults>
</compile_context>

<pallas_src>
import functools

import jax
import jax.numpy as jnp
import numpy as np
from jax import lax
from jax.experimental import pallas as pl
from jax.experimental.pallas import tpu as pltpu
from jax.experimental.pallas import tpu_sc as plsc

N_PROP = 5000
N_CLS = 8
N_CAND = N_PROP * N_CLS
NT = 16
CHUNK = 2560
ROWS_PER_TILE = CHUNK // N_CLS
NV = CHUNK // 16
SCORE_THR = 0.95
IOU_THR = 0.5
MAX_NUM = 100
KEEP_PAD = 112
N_ATTR = 16
NREC = 8
BIG = np.int32(np.iinfo(np.int32).max)
NEG_INF = np.float32(-np.inf)
F0 = np.float32(0.0)


def _sc_body(scores_hbm, bb_hbm, attrs_hbm, mn_hbm,
             out1_hbm, out2_hbm,
             sch9, bbch, scorec, candrec,
             recv, allv, allv2, keepi, keeps, rowidx, attrrows, outv, mnv,
             bufA, winners, sem):
    sid = lax.axis_index("s")
    base = sid * CHUNK
    lane = jnp.arange(16, dtype=jnp.int32)
    zeros16i = jnp.zeros((16,), jnp.int32)
    ones16i = jnp.full((16,), 1, jnp.int32)

    pltpu.sync_copy(
        scores_hbm.at[pl.ds(sid * ROWS_PER_TILE * 9, ROWS_PER_TILE * 9)], sch9)
    pltpu.sync_copy(
        bb_hbm.at[pl.ds(sid * ROWS_PER_TILE * 4, ROWS_PER_TILE * 4)], bbch)
    pltpu.sync_copy(mn_hbm, mnv)

    def initb(k, _):
        scorec[pl.ds(k * 16, 16)] = jnp.full((16,), NEG_INF, jnp.float32)
        return 0
    lax.fori_loop(0, NV, initb, 0)

    def scan_body(k, carry):
        off, mc, ffl = carry
        j = k * 16 + lane
        rl = j >> 3
        cls = j & 7
        v = plsc.load_gather(sch9, [rl * 9 + 1 + cls])
        msk = v > SCORE_THR
        fidx_v = base + j
        cum = plsc.cumsum(msk.astype(jnp.int32))
        pos = off + cum - 1
        plsc.store_scatter(candrec, [pos * NREC],
                           plsc.bitcast(fidx_v, jnp.float32), mask=msk)
        plsc.store_scatter(scorec, [pos], v, mask=msk)
        cnt = plsc.all_reduce_population_count(msk)
        bx1 = plsc.load_gather(bbch, [rl * 4])
        by1 = plsc.load_gather(bbch, [rl * 4 + 1])
        bx2 = plsc.load_gather(bbch, [rl * 4 + 2])
        by2 = plsc.load_gather(bbch, [rl * 4 + 3])
        cmax = jnp.maximum(jnp.maximum(bx1, by1), jnp.maximum(bx2, by2))
        mc = jnp.maximum(mc, jnp.where(msk, cmax, NEG_INF))
        ffl = jnp.minimum(ffl, jnp.where(msk, fidx_v, BIG))
        return (off + cnt, mc, ffl)

    off_v, mc_v, ffl_v = lax.fori_loop(
        0, NV, scan_body,
        (zeros16i, jnp.full((16,), NEG_INF, jnp.float32),
         jnp.full((16,), BIG, jnp.int32)))
    nloc = jnp.max(off_v)
    mcl = jnp.max(mc_v)
    ffl = jnp.min(ffl_v)
    fsl = jnp.max(plsc.load_gather(scorec, [zeros16i]))
    fsl = jnp.where(nloc > 0, fsl, F0)
    s0 = jnp.max(plsc.load_gather(sch9, [ones16i]))

    rec = jnp.full((16,), F0, jnp.float32)
    rec = jnp.where(lane == 0, mcl, rec)
    rec = jnp.where(lane == 1,
                    plsc.bitcast(jnp.full((16,), ffl, jnp.int32), jnp.float32),
                    rec)
    rec = jnp.where(lane == 2, fsl, rec)
    rec = jnp.where(lane == 3, s0, rec)
    recv[pl.ds(0, 16)] = rec
    pltpu.sync_copy(recv.at[pl.ds(0, 16)], bufA.at[pl.ds(sid * 16, 16)])
    plsc.subcore_barrier()
    pltpu.sync_copy(bufA, allv)

    def field_f(f):
        return plsc.load_gather(allv, [lane * 16 + f])

    mc_g = jnp.max(field_f(0))
    ffl_all = plsc.bitcast(field_f(1), jnp.int32)
    gfill = jnp.min(ffl_all)
    gfs = jnp.max(jnp.where(ffl_all == gfill, field_f(2), NEG_INF))
    s0g = jnp.max(jnp.where(lane == 0, field_f(3), NEG_INF))
    none_valid = gfill == BIG
    gf = jnp.where(none_valid, 0, gfill)
    gfs = jnp.where(none_valid, s0g, gfs)
    offc = mc_g + np.float32(1.0)

    nvl = (nloc + 15) // 16

    def gco(k, _):
        cid = k * 16 + lane
        idxv = plsc.bitcast(plsc.load_gather(candrec, [cid * NREC]), jnp.int32)
        lidx = jnp.minimum(jnp.maximum(idxv - base, 0), CHUNK - 1)
        rl = lidx >> 3
        labf = (idxv & 7).astype(jnp.float32)
        offv = labf * offc
        a = plsc.load_gather(bbch, [rl * 4]) + offv
        b = plsc.load_gather(bbch, [rl * 4 + 1]) + offv
        c = plsc.load_gather(bbch, [rl * 4 + 2]) + offv
        d = plsc.load_gather(bbch, [rl * 4 + 3]) + offv
        area = jnp.maximum(c - a, F0) * jnp.maximum(d - b, F0)
        plsc.store_scatter(candrec, [cid * NREC + 1], a)
        plsc.store_scatter(candrec, [cid * NREC + 2], b)
        plsc.store_scatter(candrec, [cid * NREC + 3], c)
        plsc.store_scatter(candrec, [cid * NREC + 4], d)
        plsc.store_scatter(candrec, [cid * NREC + 5], area)
        return 0
    lax.fori_loop(0, nvl, gco, 0)

    def pfill(k, _):
        keepi[pl.ds(k * 16, 16)] = jnp.full((16,), gf, jnp.int32)
        keeps[pl.ds(k * 16, 16)] = jnp.full((16,), gfs, jnp.float32)
        return 0
    lax.fori_loop(0, KEEP_PAD, pfill, 0)

    mn_s = jnp.max(mnv[...])
    limit = jnp.minimum(jnp.int32(MAX_NUM), mn_s)

    recmap = jnp.minimum(jnp.maximum(lane - 1, 0), NREC - 1)

    def cond(carry):
        t, e, alive = carry
        return jnp.logical_and(t < limit, alive == 1)

    def body(carry):
        t, e, _ = carry

        def am(k, c2):
            best, bk = c2
            v = scorec[pl.ds(k * 16, 16)]
            upd = v > best
            return (jnp.where(upd, v, best),
                    jnp.where(upd, jnp.full((16,), k, jnp.int32), bk))

        def top1(excl_pos):
            def am2(k, c2):
                best, bk = c2
                v = scorec[pl.ds(k * 16, 16)]
                v = jnp.where(k * 16 + lane == excl_pos, NEG_INF, v)
                upd = v > best
                return (jnp.where(upd, v, best),
                        jnp.where(upd, jnp.full((16,), k, jnp.int32), bk))
            best, bk = lax.fori_loop(
                0, nvl, am2,
                (jnp.full((16,), NEG_INF, jnp.float32), zeros16i))
            m_l = jnp.max(best)
            pos_pl = bk * 16 + lane
            pfv = plsc.bitcast(plsc.load_gather(candrec, [pos_pl * NREC]),
                               jnp.int32)
            tied = best == m_l
            jl = jnp.min(jnp.where(tied, pfv, BIG))
            posl = jnp.min(
                jnp.where(jnp.logical_and(tied, pfv == jl), pos_pl, BIG))
            posc = jnp.minimum(jnp.maximum(posl, 0), CHUNK - 1)
            r = plsc.load_gather(
                candrec, [jnp.full((16,), posc * NREC, jnp.int32) + recmap])
            return jnp.where(lane == 0, m_l, r), posc, m_l

        r1, pos1, m1 = top1(jnp.int32(-1))
        pos1x = jnp.where(m1 > NEG_INF, pos1, -1)
        r2, _, _ = top1(pos1x)
        recv[pl.ds(0, 16)] = r1
        recv[pl.ds(16, 16)] = r2
        eb = jnp.bitwise_and(e, 1)
        pltpu.sync_copy(recv, winners.at[pl.ds(eb * 512 + sid * 32, 32)])
        plsc.subcore_barrier()
        pltpu.sync_copy(winners.at[pl.ds(eb * 512, 512)], allv2)

        def f2(off):
            return plsc.load_gather(allv2, [lane * 32 + off])

        sco1 = f2(0)
        idx1 = plsc.bitcast(f2(1), jnp.int32)
        m_g = jnp.max(sco1)
        alive = m_g > NEG_INF
        gtied = sco1 == m_g
        jwin = jnp.min(jnp.where(gtied, idx1, BIG))
        sel = jnp.logical_and(gtied, idx1 == jwin)
        w32 = jnp.minimum(jnp.min(jnp.where(sel, lane, 16)), 15) * 32

        def wf(off):
            return plsc.load_gather(allv2,
                                    [jnp.full((16,), w32 + off, jnp.int32)])

        bx1, by1, bx2, by2, bar = wf(2), wf(3), wf(4), wf(5), wf(6)

        x1a, y1a, x2a, y2a, ara = f2(2), f2(3), f2(4), f2(5), f2(6)
        sco2 = f2(16)
        idx2 = plsc.bitcast(f2(17), jnp.int32)
        x1b, y1b, x2b, y2b, arb = f2(18), f2(19), f2(20), f2(21), f2(22)

        def iou_vs_w1(xa, ya, xb, yb, ar):
            xx1 = jnp.maximum(bx1, xa)
            yy1 = jnp.maximum(by1, ya)
            xx2 = jnp.minimum(bx2, xb)
            yy2 = jnp.minimum(by2, yb)
            inter = (jnp.maximum(xx2 - xx1, F0) *
                     jnp.maximum(yy2 - yy1, F0))
            union = bar + ar - inter
            return inter / jnp.maximum(union, np.float32(1e-6))

        iouA = iou_vs_w1(x1a, y1a, x2a, y2a, ara)
        iouB = iou_vs_w1(x1b, y1b, x2b, y2b, arb)
        effA = jnp.where(jnp.logical_or(iouA > IOU_THR, idx1 == jwin),
                         NEG_INF, sco1)
        effB = jnp.where(jnp.logical_or(iouB > IOU_THR, idx2 == jwin),
                         NEG_INF, sco2)
        blocked = jnp.logical_and(
            jnp.logical_and(effA == NEG_INF, effB == NEG_INF),
            sco2 > NEG_INF)
        anyblk = jnp.max(jnp.where(blocked, 1, 0))
        m2 = jnp.max(jnp.maximum(effA, effB))
        take2 = jnp.logical_and(
            jnp.logical_and(alive, m2 > NEG_INF),
            jnp.logical_and(anyblk == 0, t + 1 < limit))
        j2win = jnp.min(jnp.minimum(jnp.where(effA == m2, idx1, BIG),
                                    jnp.where(effB == m2, idx2, BIG)))
        r2pos = jnp.min(jnp.minimum(
            jnp.where(jnp.logical_and(effA == m2, idx1 == j2win),
                      lane * 32, BIG),
            jnp.where(jnp.logical_and(effB == m2, idx2 == j2win),
                      lane * 32 + 16, BIG)))
        r2base = jnp.minimum(jnp.maximum(r2pos, 0), 511 - 8)

        def w2f(off):
            return plsc.load_gather(allv2,
                                    [jnp.full((16,), r2base + off, jnp.int32)])

        cx1, cy1, cx2, cy2, car = w2f(2), w2f(3), w2f(4), w2f(5), w2f(6)

        @pl.when(alive)
        def _():
            keepi[pl.ds(t * 16, 16)] = jnp.full((16,), jwin, jnp.int32)
            keeps[pl.ds(t * 16, 16)] = jnp.full((16,), m_g, jnp.float32)

            @pl.when(take2)
            def _():
                keepi[pl.ds((t + 1) * 16, 16)] = jnp.full((16,), j2win,
                                                          jnp.int32)
                keeps[pl.ds((t + 1) * 16, 16)] = jnp.full((16,), m2,
                                                          jnp.float32)

            def sup(k, _):
                c8 = (k * 16 + lane) * NREC
                fi = plsc.bitcast(plsc.load_gather(candrec, [c8]), jnp.int32)
                a1 = plsc.load_gather(candrec, [c8 + 1])
                b1 = plsc.load_gather(candrec, [c8 + 2])
                a2 = plsc.load_gather(candrec, [c8 + 3])
                b2 = plsc.load_gather(candrec, [c8 + 4])
                ar = plsc.load_gather(candrec, [c8 + 5])
                sc = scorec[pl.ds(k * 16, 16)]
                xx1 = jnp.maximum(bx1, a1)
                yy1 = jnp.maximum(by1, b1)
                xx2 = jnp.minimum(bx2, a2)
                yy2 = jnp.minimum(by2, b2)
                inter = (jnp.maximum(xx2 - xx1, F0) *
                         jnp.maximum(yy2 - yy1, F0))
                union = bar + ar - inter
                iou = inter / jnp.maximum(union, np.float32(1e-6))
                kill = jnp.logical_or(iou > IOU_THR, fi == jwin)
                ux1 = jnp.maximum(cx1, a1)
                uy1 = jnp.maximum(cy1, b1)
                ux2 = jnp.minimum(cx2, a2)
                uy2 = jnp.minimum(cy2, b2)
                uin = (jnp.maximum(ux2 - ux1, F0) *
                       jnp.maximum(uy2 - uy1, F0))
                uun = car + ar - uin
                iou2 = uin / jnp.maximum(uun, np.float32(1e-6))
                kill2 = jnp.logical_and(
                    take2, jnp.logical_or(iou2 > IOU_THR, fi == j2win))
                kill = jnp.logical_or(kill, kill2)
                scorec[pl.ds(k * 16, 16)] = jnp.where(kill, NEG_INF, sc)
                return 0
            lax.fori_loop(0, nvl, sup, 0)

        tnew = t + 1 + jnp.where(jnp.logical_and(alive, take2), 1, 0)
        return (tnew, e + 1, alive.astype(jnp.int32))

    lax.while_loop(cond, body, (jnp.int32(0), jnp.int32(0), jnp.int32(1)))

    @pl.when(sid == 0)
    def _():
        def ri(k, _):
            slots = k * 16 + lane
            kvv = plsc.load_gather(keepi, [slots * 16])
            rowidx[pl.ds(k * 16, 16)] = kvv >> 3
            return 0
        lax.fori_loop(0, KEEP_PAD // 16, ri, 0)
        pltpu.async_copy(attrs_hbm.at[rowidx], attrrows, sem).wait()

        def emit(tt, _):
            kv = keepi[pl.ds(tt * 16, 16)]
            sv = keeps[pl.ds(tt * 16, 16)]
            labf = (kv & 7).astype(jnp.float32)
            row = jnp.where(lane == 4, sv,
                            jnp.where(lane == 5, labf,
                                      jnp.zeros((16,), jnp.float32)))
            outv[pl.ds(tt * 16, 16)] = row
            return 0
        lax.fori_loop(0, KEEP_PAD, emit, 0)
        pltpu.sync_copy(outv, out1_hbm)
        pltpu.sync_copy(attrrows, out2_hbm)


_mesh = plsc.VectorSubcoreMesh(core_axis_name="c", subcore_axis_name="s")

_sc_call = functools.partial(
    pl.kernel,
    mesh=_mesh,
    out_type=[
        jax.ShapeDtypeStruct((KEEP_PAD * 16,), jnp.float32),
        jax.ShapeDtypeStruct((KEEP_PAD, N_ATTR), jnp.float32),
    ],
    compiler_params=pltpu.CompilerParams(needs_layout_passes=False,
                                         use_tc_tiling_on_sc=False),
    scratch_types=[
        pltpu.VMEM((ROWS_PER_TILE * 9,), jnp.float32),
        pltpu.VMEM((ROWS_PER_TILE * 4,), jnp.float32),
        pltpu.VMEM((CHUNK,), jnp.float32),
        pltpu.VMEM((CHUNK * NREC,), jnp.float32),
        pltpu.VMEM((32,), jnp.float32),
        pltpu.VMEM((256,), jnp.float32),
        pltpu.VMEM((512,), jnp.float32),
        pltpu.VMEM((KEEP_PAD * 16,), jnp.int32),
        pltpu.VMEM((KEEP_PAD * 16,), jnp.float32),
        pltpu.VMEM((KEEP_PAD,), jnp.int32),
        pltpu.VMEM((KEEP_PAD, N_ATTR), jnp.float32),
        pltpu.VMEM((KEEP_PAD * 16,), jnp.float32),
        pltpu.VMEM((16,), jnp.int32),
        pltpu.VMEM_SHARED((256,), jnp.float32),
        pltpu.VMEM_SHARED((2048,), jnp.float32),
        pltpu.SemaphoreType.DMA,
    ],
)(_sc_body)


@jax.jit
def kernel(multi_bboxes, multi_scores, depth_pred, dim_pred, rot_pred,
           cen_2d_pred, max_num):
    attrs = jnp.concatenate([
        multi_bboxes,
        jnp.zeros((N_PROP, 2), jnp.float32),
        depth_pred,
        dim_pred,
        rot_pred,
        cen_2d_pred,
        jnp.zeros((N_PROP, 3), jnp.float32),
    ], axis=1)

    mn = jnp.full((16,), jnp.asarray(max_num, jnp.int32))

    n_pad_rows = NT * ROWS_PER_TILE - N_PROP
    s_flat = jnp.pad(multi_scores.reshape(-1), (0, n_pad_rows * 9))
    bb_flat = jnp.pad(multi_bboxes.reshape(-1), (0, n_pad_rows * 4))
    out1, out2 = _sc_call(s_flat, bb_flat, attrs, mn)
    out1 = out1.reshape(KEEP_PAD, 16)

    dets = jnp.concatenate([out2[:MAX_NUM, 0:4], out1[:MAX_NUM, 4:5]], axis=1)
    labels = out1[:MAX_NUM, 5].astype(jnp.int32)
    depths = out2[:MAX_NUM, 6:7]
    dims = out2[:MAX_NUM, 7:10]
    rots = out2[:MAX_NUM, 10:11]
    cen_2ds = out2[:MAX_NUM, 11:13]
    return (dets, labels, depths, dims, rots, cen_2ds)

# --- scband reference (transcript-rebuilt; emitter-appended) ---
"""Pipeline reference for scband-conv-fcbbox3-drot-sep-confidence-head-257698038037 (READ-ONLY COPY).

The authoritative reference and input builder live on the scoring server;
editing this copy changes nothing except your own understanding.
"""

import jax, jax.numpy as jnp
import numpy as np

N_PROPOSALS = 5000
NUM_FG_CLASSES = 8
SCORE_THR = 0.95
IOU_THR = 0.5
MAX_NUM = 100


def setup_inputs(seed: int = 0) -> dict:
    key = jax.random.key(seed)
    ks = jax.random.split(key, 7)
    n = N_PROPOSALS
    cxy = jax.random.uniform(ks[0], (n, 2)) * 1024.0
    wh = jax.random.uniform(ks[1], (n, 2)) * 190.0 + 10.0
    multi_bboxes = jnp.concatenate([cxy - wh / 2.0, cxy + wh / 2.0], axis=1).astype(jnp.float32)
    multi_scores = jax.random.uniform(ks[2], (n, NUM_FG_CLASSES + 1)).astype(jnp.float32)
    depth_pred = (jax.random.uniform(ks[3], (n, 1)) * 80.0).astype(jnp.float32)
    dim_pred = (jax.random.uniform(ks[4], (n, 3)) * 4.0).astype(jnp.float32)
    rot_pred = (jax.random.uniform(ks[5], (n, 1)) * np.pi).astype(jnp.float32)
    cen_2d_pred = (jax.random.uniform(ks[6], (n, 2)) * 1024.0).astype(jnp.float32)
    return {
        "multi_bboxes": multi_bboxes,
        "multi_scores": multi_scores,
        "depth_pred": depth_pred,
        "dim_pred": dim_pred,
        "rot_pred": rot_pred,
        "cen_2d_pred": cen_2d_pred,
        "max_num": 100,
    }


def _pairwise_iou(boxes):
    x1, y1, x2, y2 = boxes[:, 0], boxes[:, 1], boxes[:, 2], boxes[:, 3]
    areas = jnp.clip(x2 - x1, 0.0) * jnp.clip(y2 - y1, 0.0)
    xx1 = jnp.maximum(x1[:, None], x1[None, :])
    yy1 = jnp.maximum(y1[:, None], y1[None, :])
    xx2 = jnp.minimum(x2[:, None], x2[None, :])
    yy2 = jnp.minimum(y2[:, None], y2[None, :])
    inter = jnp.clip(xx2 - xx1, 0.0) * jnp.clip(yy2 - yy1, 0.0)
    union = areas[:, None] + areas[None, :] - inter
    return inter / jnp.maximum(union, 1e-6)


def _batched_nms(boxes, scores, labels, iou_thr, vmask, max_num, max_num_static):
    # class-aware NMS via the coordinate-offset trick (mmcv batched_nms)
    max_coord = jnp.max(jnp.where(vmask[:, None], boxes, -jnp.inf))
    offsets = labels.astype(boxes.dtype) * (max_coord + 1.0)
    b = boxes + offsets[:, None]
    order = jnp.argsort(jnp.where(vmask, -scores, jnp.inf))
    b_sorted = b[order]
    n = b_sorted.shape[0]
    x1, y1, x2, y2 = b_sorted[:, 0], b_sorted[:, 1], b_sorted[:, 2], b_sorted[:, 3]
    areas = jnp.clip(x2 - x1, 0.0) * jnp.clip(y2 - y1, 0.0)
    idx = jnp.arange(n)

    def body(i, suppressed):
        keep_i = jnp.logical_not(suppressed[i])
        xx1 = jnp.maximum(x1[i], x1)
        yy1 = jnp.maximum(y1[i], y1)
        xx2 = jnp.minimum(x2[i], x2)
        yy2 = jnp.minimum(y2[i], y2)
        inter = jnp.clip(xx2 - xx1, 0.0) * jnp.clip(yy2 - yy1, 0.0)
        union = areas[i] + areas - inter
        iou_row = inter / jnp.maximum(union, 1e-6)
        new_sup = jnp.logical_and(jnp.logical_and(keep_i, iou_row > iou_thr), idx > i)
        return jnp.logical_or(suppressed, new_sup)

    suppressed = jax.lax.fori_loop(0, n, body, jnp.zeros((n,), dtype=bool))
    kept = jnp.logical_and(jnp.logical_not(suppressed), vmask[order])
    rank = jnp.cumsum(kept) - 1
    sel = jnp.logical_and(kept, rank < max_num)
    keep = jnp.zeros((max_num_static,), dtype=order.dtype)
    keep = keep.at[jnp.where(sel, rank, max_num_static)].set(order, mode="drop")
    return keep


def reference(multi_bboxes, multi_scores, depth_pred, dim_pred, rot_pred, cen_2d_pred, max_num):
    # Faithful jax port of multiclass_3d_nms, reg_class_agnostic path,
    # depth_uncertainty_pred=None so valid_mask = scores > score_thr.
    scores_fg = multi_scores[:, 1:]
    valid = scores_fg > SCORE_THR
    m = valid.shape[0] * valid.shape[1]
    rows, cols = jnp.nonzero(valid, size=m, fill_value=0)
    vmask = jnp.arange(m) < jnp.count_nonzero(valid)
    bboxes = multi_bboxes[rows]
    scores = scores_fg[rows, cols]
    labels = cols
    keep = _batched_nms(bboxes, scores, labels, IOU_THR, vmask, max_num, MAX_NUM)
    dets = jnp.concatenate([bboxes[keep], scores[keep][:, None]], axis=1)
    depths = depth_pred[rows][keep]
    dims = dim_pred[rows][keep]
    rots = rot_pred[rows][keep]
    cen_2ds = cen_2d_pred[rows][keep]
    return (dets, labels[keep], depths, dims, rots, cen_2ds)

if __name__ == "__main__":
    import jax
    _d = setup_inputs()
    print(jax.jit(kernel)(*tuple(_d.values())))

</pallas_src>

<mosaic_0001>
#map = affine_map<(d0, d1) -> (0)>
#map1 = affine_map<(d0, d1) -> (0, 0)>
module attributes {stable_mosaic.version = 14 : i64} {
  func.func @_sc_body(%arg0: i32, %arg1: i32, %arg2: memref<46080xf32, #tpu.memory_space<hbm>>, %arg3: memref<20480xf32, #tpu.memory_space<hbm>>, %arg4: memref<5000x16xf32, #tpu.memory_space<hbm>>, %arg5: memref<16xi32, #tpu.memory_space<hbm>>, %arg6: memref<1792xf32, #tpu.memory_space<hbm>>, %arg7: memref<112x16xf32, #tpu.memory_space<hbm>>, %arg8: memref<2880xf32, #tpu.memory_space<vmem>>, %arg9: memref<1280xf32, #tpu.memory_space<vmem>>, %arg10: memref<2560xf32, #tpu.memory_space<vmem>>, %arg11: memref<20480xf32, #tpu.memory_space<vmem>>, %arg12: memref<32xf32, #tpu.memory_space<vmem>>, %arg13: memref<256xf32, #tpu.memory_space<vmem>>, %arg14: memref<512xf32, #tpu.memory_space<vmem>>, %arg15: memref<1792xi32, #tpu.memory_space<vmem>>, %arg16: memref<1792xf32, #tpu.memory_space<vmem>>, %arg17: memref<112xi32, #tpu.memory_space<vmem>>, %arg18: memref<112x16xf32, #tpu.memory_space<vmem>>, %arg19: memref<1792xf32, #tpu.memory_space<vmem>>, %arg20: memref<16xi32, #tpu.memory_space<vmem>>, %arg21: memref<256xf32, #tpu.memory_space<vmem_shared>>, %arg22: memref<2048xf32, #tpu.memory_space<vmem_shared>>, %arg23: memref<!tpu.dma_semaphore, #tpu.memory_space<semaphore_mem>>) attributes {dimension_semantics = [#tpu.dimension_semantics<core_parallel>, #tpu.dimension_semantics<subcore_parallel>], iteration_bounds = array<i64: 2, 16>, scalar_prefetch = 0 : i64, scratch_operands = 16 : i64, tpu.core_type = #tpu.core_type<sc_vector_subcore>, window_params = [{transform_indices = #map}, {transform_indices = #map}, {transform_indices = #map1}, {transform_indices = #map}, {transform_indices = #map}, {transform_indices = #map1}]} {
    %mul3A = arith.constant 2560 : i32
    %mul3A_0 = arith.muli %arg1, %mul3A : i32
    %iota3A = tpu.iota {dimensions = array<i32: 0>} : vector<16xi32>
    %broadcast_in_dim3A = arith.constant 0 : i32
    %broadcast_in_dim3A_1 = vector.broadcast %broadcast_in_dim3A : i32 to vector<16xi32>
    %broadcast_in_dim3A_2 = arith.constant 1 : i32
    %broadcast_in_dim3A_3 = vector.broadcast %broadcast_in_dim3A_2 : i32 to vector<16xi32>
    %mul3A_4 = arith.constant 320 : i32
    %mul3A_5 = arith.muli %arg1, %mul3A_4 : i32
    %mul3A_6 = arith.constant 9 : i32
    %mul3A_7 = arith.muli %mul3A_5, %mul3A_6 : i32
    "tpu.region"() ({
      %run_scoped3A = tpu.sem_alloc : memref<!tpu.dma_semaphore, #tpu.memory_space<semaphore_mem>>
      %dma_start3A = tpu.memref_slice %arg2[%mul3A_7] : memref<46080xf32, #tpu.memory_space<hbm>> -> memref<2880xf32, #tpu.memory_space<hbm>>
      %dma_start3A_209 = tpu.memref_slice %arg2[%mul3A_7] : memref<46080xf32, #tpu.memory_space<hbm>> -> memref<2880xf32, #tpu.memory_space<hbm>>
      tpu.enqueue_dma source(%dma_start3A_209 : memref<2880xf32, #tpu.memory_space<hbm>>) target(%arg8 : memref<2880xf32, #tpu.memory_space<vmem>>) target_semaphore(%run_scoped3A : memref<!tpu.dma_semaphore, #tpu.memory_space<semaphore_mem>>)
      %dma_wait3A = tpu.memref_slice %arg2[%mul3A_7] : memref<46080xf32, #tpu.memory_space<hbm>> -> memref<2880xf32, #tpu.memory_space<hbm>>
      %dma_wait3A_210 = tpu.memref_slice %arg2[%mul3A_7] : memref<46080xf32, #tpu.memory_space<hbm>> -> memref<2880xf32, #tpu.memory_space<hbm>>
      tpu.wait_dma2 semaphore(%run_scoped3A : memref<!tpu.dma_semaphore, #tpu.memory_space<semaphore_mem>>) src(%dma_wait3A_210 : memref<2880xf32, #tpu.memory_space<hbm>>) dst(%arg8 : memref<2880xf32, #tpu.memory_space<vmem>>)
      tpu.yield
    }) : () -> ()
    %mul3A_8 = arith.constant 320 : i32
    %mul3A_9 = arith.muli %arg1, %mul3A_8 : i32
    %mul3A_10 = arith.constant 4 : i32
    %mul3A_11 = arith.muli %mul3A_9, %mul3A_10 : i32
    "tpu.region"() ({
      %run_scoped3A = tpu.sem_alloc : memref<!tpu.dma_semaphore, #tpu.memory_space<semaphore_mem>>
      %dma_start3A = tpu.memref_slice %arg3[%mul3A_11] : memref<20480xf32, #tpu.memory_space<hbm>> -> memref<1280xf32, #tpu.memory_space<hbm>>
      %dma_start3A_209 = tpu.memref_slice %arg3[%mul3A_11] : memref<20480xf32, #tpu.memory_space<hbm>> -> memref<1280xf32, #tpu.memory_space<hbm>>
      tpu.enqueue_dma source(%dma_start3A_209 : memref<1280xf32, #tpu.memory_space<hbm>>) target(%arg9 : memref<1280xf32, #tpu.memory_space<vmem>>) target_semaphore(%run_scoped3A : memref<!tpu.dma_semaphore, #tpu.memory_space<semaphore_mem>>)
      %dma_wait3A = tpu.memref_slice %arg3[%mul3A_11] : memref<20480xf32, #tpu.memory_space<hbm>> -> memref<1280xf32, #tpu.memory_space<hbm>>
      %dma_wait3A_210 = tpu.memref_slice %arg3[%mul3A_11] : memref<20480xf32, #tpu.memory_space<hbm>> -> memref<1280xf32, #tpu.memory_space<hbm>>
      tpu.wait_dma2 semaphore(%run_scoped3A : memref<!tpu.dma_semaphore, #tpu.memory_space<semaphore_mem>>) src(%dma_wait3A_210 : memref<1280xf32, #tpu.memory_space<hbm>>) dst(%arg9 : memref<1280xf32, #tpu.memory_space<vmem>>)
      tpu.yield
    }) : () -> ()
    "tpu.region"() ({
      %run_scoped3A = tpu.sem_alloc : memref<!tpu.dma_semaphore, #tpu.memory_space<semaphore_mem>>
      tpu.enqueue_dma source(%arg5 : memref<16xi32, #tpu.memory_space<hbm>>) target(%arg20 : memref<16xi32, #tpu.memory_space<vmem>>) target_semaphore(%run_scoped3A : memref<!tpu.dma_semaphore, #tpu.memory_space<semaphore_mem>>)
      tpu.wait_dma2 semaphore(%run_scoped3A : memref<!tpu.dma_semaphore, #tpu.memory_space<semaphore_mem>>) src(%arg5 : memref<16xi32, #tpu.memory_space<hbm>>) dst(%arg20 : memref<16xi32, #tpu.memory_space<vmem>>)
      tpu.yield
    }) : () -> ()
    %scan3A = arith.constant 0 : i32
    %scan3A_12 = arith.constant 0 : i32
    %scan3A_13 = arith.constant 160 : i32
    %scan3A_14 = arith.addi %scan3A_12, %scan3A_13 : i32
    %scan3A_15 = arith.constant 1 : i32
    %scan3A_16 = scf.for %scan3A_209 = %scan3A_12 to %scan3A_14 step %scan3A_15 iter_args(%scan3A_210 = %scan3A) -> (i32)  : i32 {
      %broadcast_in_dim3A_211 = arith.constant 0xFF800000 : f32
      %broadcast_in_dim3A_212 = vector.broadcast %broadcast_in_dim3A_211 : f32 to vector<16xf32>
      %mul3A_213 = arith.constant 16 : i32
      %mul3A_214 = arith.muli %scan3A_209, %mul3A_213 : i32
      %swap3A_215 = arith.index_cast %mul3A_214 : i32 to index
      %swap3A_216 = tpu.vector_load %arg10[%swap3A_215] {strides = array<i32>} : memref<2560xf32, #tpu.memory_space<vmem>>, vector<16xf32>,
      tpu.vector_store %arg10[%swap3A_215], %broadcast_in_dim3A_212 {strides = array<i32>} : memref<2560xf32, #tpu.memory_space<vmem>>, vector<16xf32>,
      %scan3A_217 = arith.constant 0 : i32
      scf.yield %scan3A_217 : i32
    }
    %scan3A_17 = arith.constant 160 : i32
    %broadcast_in_dim3A_18 = arith.constant 0xFF800000 : f32
    %broadcast_in_dim3A_19 = vector.broadcast %broadcast_in_dim3A_18 : f32 to vector<16xf32>
    %broadcast_in_dim3A_20 = arith.constant 2147483647 : i32
    %broadcast_in_dim3A_21 = vector.broadcast %broadcast_in_dim3A_20 : i32 to vector<16xi32>
    %scan3A_22 = arith.constant 0 : i32
    %scan3A_23 = arith.constant 160 : i32
    %scan3A_24 = arith.addi %scan3A_22, %scan3A_23 : i32
    %scan3A_25 = arith.constant 1 : i32
    %scan3A_26:3 = scf.for %scan3A_209 = %scan3A_22 to %scan3A_24 step %scan3A_25 iter_args(%scan3A_210 = %broadcast_in_dim3A_1, %scan3A_211 = %broadcast_in_dim3A_19, %scan3A_212 = %broadcast_in_dim3A_21) -> (vector<16xi32>, vector<16xf32>, vector<16xi32>)  : i32 {
      %mul3A_213 = arith.constant 16 : i32
      %mul3A_214 = arith.muli %scan3A_209, %mul3A_213 : i32
      %add3A_215 = vector.broadcast %mul3A_214 : i32 to vector<16xi32>
      %add3A_216 = arith.addi %add3A_215, %iota3A : vector<16xi32>
      %shift_right_arithmetic3A = arith.constant 3 : i32
      %shift_right_arithmetic3A_217 = vector.broadcast %shift_right_arithmetic3A : i32 to vector<16xi32>
      %shift_right_arithmetic3A_218 = arith.shrsi %add3A_216, %shift_right_arithmetic3A_217 : vector<16xi32>
      %and3A_219 = arith.constant 7 : i32
      %and3A_220 = vector.broadcast %and3A_219 : i32 to vector<16xi32>
      %and3A_221 = arith.andi %add3A_216, %and3A_220 : vector<16xi32>
      %mul3A_222 = arith.constant 9 : i32
      %mul3A_223 = vector.broadcast %mul3A_222 : i32 to vector<16xi32>
      %mul3A_224 = arith.muli %shift_right_arithmetic3A_218, %mul3A_223 : vector<16xi32>
      %add3A_225 = arith.constant 1 : i32
      %add3A_226 = vector.broadcast %add3A_225 : i32 to vector<16xi32>
      %add3A_227 = arith.addi %mul3A_224, %add3A_226 : vector<16xi32>
      %add3A_228 = arith.addi %add3A_227, %and3A_221 : vector<16xi32>
      %gather3A_229 = tpu.vector_load_idx %arg8[%add3A_228] : memref<2880xf32, #tpu.memory_space<vmem>>[vector<16xi32>], vector<16xf32>,
      %gt3A_230 = arith.constant 0.949999988 : f32
      %gt3A_231 = vector.broadcast %gt3A_230 : f32 to vector<16xf32>
      %gt3A_232 = arith.cmpf ogt, %gather3A_229, %gt3A_231 : vector<16xf32>
      %add3A_233 = vector.broadcast %mul3A_0 : i32 to vector<16xi32>
      %add3A_234 = arith.addi %add3A_233, %add3A_216 : vector<16xi32>
      %convert_element_type3A_235 = arith.extui %gt3A_232 : vector<16xi1> to vector<16xi32>
      %broadcast_in_dim3A_236 = arith.constant true
      %broadcast_in_dim3A_237 = vector.broadcast %broadcast_in_dim3A_236 : i1 to vector<16xi1>
      %masked_cumsum3A = tpu.scan <sum>, %convert_element_type3A_235 masked %broadcast_in_dim3A_237 : vector<16xi32>, vector<16xi1> -> vector<16xi32>
      %add3A_238 = arith.addi %scan3A_210, %masked_cumsum3A : vector<16xi32>
      %sub3A_239 = arith.constant 1 : i32
      %sub3A_240 = vector.broadcast %sub3A_239 : i32 to vector<16xi32>
      %sub3A_241 = arith.subi %add3A_238, %sub3A_240 : vector<16xi32>
      %mul3A_242 = arith.constant 8 : i32
      %mul3A_243 = vector.broadcast %mul3A_242 : i32 to vector<16xi32>
      %mul3A_244 = arith.muli %sub3A_241, %mul3A_243 : vector<16xi32>
      %bitcast3A_245 = vector.bitcast %add3A_234 : vector<16xi32> to vector<16xf32>
      tpu.vector_store_idx %arg11[%mul3A_244], %bitcast3A_245 masked %gt3A_232 : memref<20480xf32, #tpu.memory_space<vmem>>[vector<16xi32>], vector<16xf32>, vector<16xi1>
      tpu.vector_store_idx %arg10[%sub3A_241], %gather3A_229 masked %gt3A_232 : memref<2560xf32, #tpu.memory_space<vmem>>[vector<16xi32>], vector<16xf32>, vector<16xi1>
      %all_reduce_population_count3A = tpu.all_reduce %gt3A_232 {dim = 0 : i64, kind = #tpu.reduction_kind<sum>} : vector<16xi1> -> vector<16xi32>
      %mul3A_246 = arith.constant 4 : i32
      %mul3A_247 = vector.broadcast %mul3A_246 : i32 to vector<16xi32>
      %mul3A_248 = arith.muli %shift_right_arithmetic3A_218, %mul3A_247 : vector<16xi32>
      %gather3A_249 = tpu.vector_load_idx %arg9[%mul3A_248] : memref<1280xf32, #tpu.memory_space<vmem>>[vector<16xi32>], vector<16xf32>,
      %mul3A_250 = arith.constant 4 : i32
      %mul3A_251 = vector.broadcast %mul3A_250 : i32 to vector<16xi32>
      %mul3A_252 = arith.muli %shift_right_arithmetic3A_218, %mul3A_251 : vector<16xi32>
      %add3A_253 = arith.constant 1 : i32
      %add3A_254 = vector.broadcast %add3A_253 : i32 to vector<16xi32>
      %add3A_255 = arith.addi %mul3A_252, %add3A_254 : vector<16xi32>
      %gather3A_256 = tpu.vector_load_idx %arg9[%add3A_255] : memref<1280xf32, #tpu.memory_space<vmem>>[vector<16xi32>], vector<16xf32>,
      %mul3A_257 = arith.constant 4 : i32
      %mul3A_258 = vector.broadcast %mul3A_257 : i32 to vector<16xi32>
      %mul3A_259 = arith.muli %shift_right_arithmetic3A_218, %mul3A_258 : vector<16xi32>
      %add3A_260 = arith.constant 2 : i32
      %add3A_261 = vector.broadcast %add3A_260 : i32 to vector<16xi32>
      %add3A_262 = arith.addi %mul3A_259, %add3A_261 : vector<16xi32>
      %gather3A_263 = tpu.vector_load_idx %arg9[%add3A_262] : memref<1280xf32, #tpu.memory_space<vmem>>[vector<16xi32>], vector<16xf32>,
      %mul3A_264 = arith.constant 4 : i32
      %mul3A_265 = vector.broadcast %mul3A_264 : i32 to vector<16xi32>
      %mul3A_266 = arith.muli %shift_right_arithmetic3A_218, %mul3A_265 : vector<16xi32>
      %add3A_267 = arith.constant 3 : i32
      %add3A_268 = vector.broadcast %add3A_267 : i32 to vector<16xi32>
      %add3A_269 = arith.addi %mul3A_266, %add3A_268 : vector<16xi32>
      %gather3A_270 = tpu.vector_load_idx %arg9[%add3A_269] : memref<1280xf32, #tpu.memory_space<vmem>>[vector<16xi32>], vector<16xf32>,
      %max3A_271 = arith.maximumf %gather3A_249, %gather3A_256 : vector<16xf32>
      %max3A_272 = arith.maximumf %gather3A_263, %gather3A_270 : vector<16xf32>
      %max3A_273 = arith.maximumf %max3A_271, %max3A_272 : vector<16xf32>
      %jit3A_274 = arith.constant 0xFF800000 : f32
      %broadcast_in_dim3A_275 = vector.broadcast %jit3A_274 : f32 to vector<16xf32>
      %select_n3A_276 = arith.select %gt3A_232, %max3A_273, %broadcast_in_dim3A_275 : vector<16xi1>, vector<16xf32>
      %max3A_277 = arith.maximumf %scan3A_211, %select_n3A_276 : vector<16xf32>
      %jit3A_278 = arith.constant 2147483647 : i32
      %broadcast_in_dim3A_279 = vector.broadcast %jit3A_278 : i32 to vector<16xi32>
      %select_n3A_280 = arith.select %gt3A_232, %add3A_234, %broadcast_in_dim3A_279 : vector<16xi1>, vector<16xi32>
      %min3A_281 = arith.minsi %scan3A_212, %select_n3A_280 : vector<16xi32>
      %add3A_282 = arith.addi %scan3A_210, %all_reduce_population_count3A : vector<16xi32>
      scf.yield %add3A_282, %max3A_277, %min3A_281 : vector<16xi32>, vector<16xf32>, vector<16xi32>
    }
    %scan3A_27 = arith.constant 160 : i32
    %reduce_max3A = arith.constant true
    %reduce_max3A_28 = vector.broadcast %reduce_max3A : i1 to vector<16xi1>
    %reduce_max3A_29 = arith.constant -2147483648 : i32
    %reduce_max3A_30 = vector.broadcast %reduce_max3A_29 : i32 to vector<16xi32>
    %reduce_max3A_31 = arith.xori %scan3A_26#0, %reduce_max3A_30 : vector<16xi32>
    %reduce_max3A_32 = tpu.scan <max>, %reduce_max3A_31 masked %reduce_max3A_28 : vector<16xi32>, vector<16xi1> -> vector<16xi32>
    %reduce_max3A_33 = arith.xori %reduce_max3A_32, %reduce_max3A_30 : vector<16xi32>
    %reduce_max3A_34 = vector.extract %reduce_max3A_33[15] : i32 from vector<16xi32>
    %reduce_max3A_35 = arith.constant true
    %reduce_max3A_36 = vector.broadcast %reduce_max3A_35 : i1 to vector<16xi1>
    %reduce_max3A_37 = tpu.scan <max>, %scan3A_26#1 masked %reduce_max3A_36 : vector<16xf32>, vector<16xi1> -> vector<16xf32>
    %reduce_max3A_38 = vector.extract %reduce_max3A_37[15] : f32 from vector<16xf32>
    %reduce_min3A = arith.constant true
    %reduce_min3A_39 = vector.broadcast %reduce_min3A : i1 to vector<16xi1>
    %reduce_min3A_40 = arith.constant -2147483648 : i32
    %reduce_min3A_41 = vector.broadcast %reduce_min3A_40 : i32 to vector<16xi32>
    %reduce_min3A_42 = arith.xori %scan3A_26#2, %reduce_min3A_41 : vector<16xi32>
    %reduce_min3A_43 = tpu.scan <min>, %reduce_min3A_42 masked %reduce_min3A_39 : vector<16xi32>, vector<16xi1> -> vector<16xi32>
    %reduce_min3A_44 = arith.xori %reduce_min3A_43, %reduce_min3A_41 : vector<16xi32>
    %reduce_min3A_45 = vector.extract %reduce_min3A_44[15] : i32 from vector<16xi32>
    %gather3A = tpu.vector_load_idx %arg10[%broadcast_in_dim3A_1] : memref<2560xf32, #tpu.memory_space<vmem>>[vector<16xi32>], vector<16xf32>,
    %reduce_max3A_46 = arith.constant true
    %reduce_max3A_47 = vector.broadcast %reduce_max3A_46 : i1 to vector<16xi1>
    %reduce_max3A_48 = tpu.scan <max>, %gather3A masked %reduce_max3A_47 : vector<16xf32>, vector<16xi1> -> vector<16xf32>
    %reduce_max3A_49 = vector.extract %reduce_max3A_48[15] : f32 from vector<16xf32>
    %gt3A = arith.constant 0 : i32
    %gt3A_50 = arith.cmpi sgt, %reduce_max3A_34, %gt3A : i32
    %jit3A = arith.constant 0.000000e+00 : f32
    %select_n3A = arith.select %gt3A_50, %reduce_max3A_49, %jit3A : f32
    %gather3A_51 = tpu.vector_load_idx %arg8[%broadcast_in_dim3A_3] : memref<2880xf32, #tpu.memory_space<vmem>>[vector<16xi32>], vector<16xf32>,
    %reduce_max3A_52 = arith.constant true
    %reduce_max3A_53 = vector.broadcast %reduce_max3A_52 : i1 to vector<16xi1>
    %reduce_max3A_54 = tpu.scan <max>, %gather3A_51 masked %reduce_max3A_53 : vector<16xf32>, vector<16xi1> -> vector<16xf32>
    %reduce_max3A_55 = vector.extract %reduce_max3A_54[15] : f32 from vector<16xf32>
    %broadcast_in_dim3A_56 = arith.constant 0.000000e+00 : f32
    %broadcast_in_dim3A_57 = vector.broadcast %broadcast_in_dim3A_56 : f32 to vector<16xf32>
    %eq3A = arith.constant 0 : i32
    %eq3A_58 = vector.broadcast %eq3A : i32 to vector<16xi32>
    %eq3A_59 = arith.cmpi eq, %iota3A, %eq3A_58 : vector<16xi32>
    %broadcast_in_dim3A_60 = vector.broadcast %reduce_max3A_38 : f32 to vector<16xf32>
    %select_n3A_61 = arith.select %eq3A_59, %broadcast_in_dim3A_60, %broadcast_in_dim3A_57 : vector<16xi1>, vector<16xf32>
    %eq3A_62 = arith.constant 1 : i32
    %eq3A_63 = vector.broadcast %eq3A_62 : i32 to vector<16xi32>
    %eq3A_64 = arith.cmpi eq, %iota3A, %eq3A_63 : vector<16xi32>
    %broadcast_in_dim3A_65 = vector.broadcast %reduce_min3A_45 : i32 to vector<16xi32>
    %bitcast3A = vector.bitcast %broadcast_in_dim3A_65 : vector<16xi32> to vector<16xf32>
    %select_n3A_66 = arith.select %eq3A_64, %bitcast3A, %select_n3A_61 : vector<16xi1>, vector<16xf32>
    %eq3A_67 = arith.constant 2 : i32
    %eq3A_68 = vector.broadcast %eq3A_67 : i32 to vector<16xi32>
    %eq3A_69 = arith.cmpi eq, %iota3A, %eq3A_68 : vector<16xi32>
    %broadcast_in_dim3A_70 = vector.broadcast %select_n3A : f32 to vector<16xf32>
    %select_n3A_71 = arith.select %eq3A_69, %broadcast_in_dim3A_70, %select_n3A_66 : vector<16xi1>, vector<16xf32>
    %eq3A_72 = arith.constant 3 : i32
    %eq3A_73 = vector.broadcast %eq3A_72 : i32 to vector<16xi32>
    %eq3A_74 = arith.cmpi eq, %iota3A, %eq3A_73 : vector<16xi32>
    %broadcast_in_dim3A_75 = vector.broadcast %reduce_max3A_55 : f32 to vector<16xf32>
    %select_n3A_76 = arith.select %eq3A_74, %broadcast_in_dim3A_75, %select_n3A_71 : vector<16xi1>, vector<16xf32>
    %swap3A = arith.constant 0 : index
    %swap3A_77 = tpu.vector_load %arg12[%swap3A] {strides = array<i32>} : memref<32xf32, #tpu.memory_space<vmem>>, vector<16xf32>,
    tpu.vector_store %arg12[%swap3A], %select_n3A_76 {strides = array<i32>} : memref<32xf32, #tpu.memory_space<vmem>>, vector<16xf32>,
    %mul3A_78 = arith.constant 16 : i32
    %mul3A_79 = arith.muli %arg1, %mul3A_78 : i32
    "tpu.region"() ({
      %run_scoped3A = tpu.sem_alloc : memref<!tpu.dma_semaphore, #tpu.memory_space<semaphore_mem>>
      %dma_start3A = arith.constant 0 : i32
      %dma_start3A_209 = tpu.memref_slice %arg12[%dma_start3A] : memref<32xf32, #tpu.memory_space<vmem>> -> memref<16xf32, #tpu.memory_space<vmem>>
      %dma_start3A_210 = tpu.memref_slice %arg21[%mul3A_79] : memref<256xf32, #tpu.memory_space<vmem_shared>> -> memref<16xf32, #tpu.memory_space<vmem_shared>>
      %dma_start3A_211 = tpu.memref_slice %arg21[%mul3A_79] : memref<256xf32, #tpu.memory_space<vmem_shared>> -> memref<16xf32, #tpu.memory_space<vmem_shared>>
      %dma_start3A_212 = arith.constant 0 : i32
      %dma_start3A_213 = tpu.memref_slice %arg12[%dma_start3A_212] : memref<32xf32, #tpu.memory_space<vmem>> -> memref<16xf32, #tpu.memory_space<vmem>>
      tpu.enqueue_dma source(%dma_start3A_213 : memref<16xf32, #tpu.memory_space<vmem>>) target(%dma_start3A_211 : memref<16xf32, #tpu.memory_space<vmem_shared>>) target_semaphore(%run_scoped3A : memref<!tpu.dma_semaphore, #tpu.memory_space<semaphore_mem>>)
      %dma_wait3A = arith.constant 0 : i32
      %dma_wait3A_214 = tpu.memref_slice %arg12[%dma_wait3A] : memref<32xf32, #tpu.memory_space<vmem>> -> memref<16xf32, #tpu.memory_space<vmem>>
      %dma_wait3A_215 = tpu.memref_slice %arg21[%mul3A_79] : memref<256xf32, #tpu.memory_space<vmem_shared>> -> memref<16xf32, #tpu.memory_space<vmem_shared>>
      %dma_wait3A_216 = tpu.memref_slice %arg21[%mul3A_79] : memref<256xf32, #tpu.memory_space<vmem_shared>> -> memref<16xf32, #tpu.memory_space<vmem_shared>>
      %dma_wait3A_217 = arith.constant 0 : i32
      %dma_wait3A_218 = tpu.memref_slice %arg12[%dma_wait3A_217] : memref<32xf32, #tpu.memory_space<vmem>> -> memref<16xf32, #tpu.memory_space<vmem>>
      tpu.wait_dma2 semaphore(%run_scoped3A : memref<!tpu.dma_semaphore, #tpu.memory_space<semaphore_mem>>) src(%dma_wait3A_218 : memref<16xf32, #tpu.memory_space<vmem>>) dst(%dma_wait3A_216 : memref<16xf32, #tpu.memory_space<vmem_shared>>)
      tpu.yield
    }) : () -> ()
    %barrier3A = arith.constant 0 : index
    tpu.barrier barrier_id(%barrier3A)
    "tpu.region"() ({
      %run_scoped3A = tpu.sem_alloc : memref<!tpu.dma_semaphore, #tpu.memory_space<semaphore_mem>>
      tpu.enqueue_dma source(%arg21 : memref<256xf32, #tpu.memory_space<vmem_shared>>) target(%arg13 : memref<256xf32, #tpu.memory_space<vmem>>) target_semaphore(%run_scoped3A : memref<!tpu.dma_semaphore, #tpu.memory_space<semaphore_mem>>)
      tpu.wait_dma2 semaphore(%run_scoped3A : memref<!tpu.dma_semaphore, #tpu.memory_space<semaphore_mem>>) src(%arg21 : memref<256xf32, #tpu.memory_space<vmem_shared>>) dst(%arg13 : memref<256xf32, #tpu.memory_space<vmem>>)
      tpu.yield
    }) : () -> ()
    %mul3A_80 = arith.constant 16 : i32
    %mul3A_81 = vector.broadcast %mul3A_80 : i32 to vector<16xi32>
    %mul3A_82 = arith.muli %iota3A, %mul3A_81 : vector<16xi32>
    %add3A = arith.constant 0 : i32
    %add3A_83 = vector.broadcast %add3A : i32 to vector<16xi32>
    %add3A_84 = arith.addi %mul3A_82, %add3A_83 : vector<16xi32>
    %gather3A_85 = tpu.vector_load_idx %arg13[%add3A_84] : memref<256xf32, #tpu.memory_space<vmem>>[vector<16xi32>], vector<16xf32>,
    %reduce_max3A_86 = arith.constant true
    %reduce_max3A_87 = vector.broadcast %reduce_max3A_86 : i1 to vector<16xi1>
    %reduce_max3A_88 = tpu.scan <max>, %gather3A_85 masked %reduce_max3A_87 : vector<16xf32>, vector<16xi1> -> vector<16xf32>
    %reduce_max3A_89 = vector.extract %reduce_max3A_88[15] : f32 from vector<16xf32>
    %mul3A_90 = arith.constant 16 : i32
    %mul3A_91 = vector.broadcast %mul3A_90 : i32 to vector<16xi32>
    %mul3A_92 = arith.muli %iota3A, %mul3A_91 : vector<16xi32>
    %add3A_93 = arith.constant 1 : i32
    %add3A_94 = vector.broadcast %add3A_93 : i32 to vector<16xi32>
    %add3A_95 = arith.addi %mul3A_92, %add3A_94 : vector<16xi32>
    %gather3A_96 = tpu.vector_load_idx %arg13[%add3A_95] : memref<256xf32, #tpu.memory_space<vmem>>[vector<16xi32>], vector<16xf32>,
    %bitcast3A_97 = vector.bitcast %gather3A_96 : vector<16xf32> to vector<16xi32>
    %reduce_min3A_98 = arith.constant true
    %reduce_min3A_99 = vector.broadcast %reduce_min3A_98 : i1 to vector<16xi1>
    %reduce_min3A_100 = arith.constant -2147483648 : i32
    %reduce_min3A_101 = vector.broadcast %reduce_min3A_100 : i32 to vector<16xi32>
    %reduce_min3A_102 = arith.xori %bitcast3A_97, %reduce_min3A_101 : vector<16xi32>
    %reduce_min3A_103 = tpu.scan <min>, %reduce_min3A_102 masked %reduce_min3A_99 : vector<16xi32>, vector<16xi1> -> vector<16xi32>
    %reduce_min3A_104 = arith.xori %reduce_min3A_103, %reduce_min3A_101 : vector<16xi32>
    %reduce_min3A_105 = vector.extract %reduce_min3A_104[15] : i32 from vector<16xi32>
    %eq3A_106 = vector.broadcast %reduce_min3A_105 : i32 to vector<16xi32>
    %eq3A_107 = arith.cmpi eq, %bitcast3A_97, %eq3A_106 : vector<16xi32>
    %mul3A_108 = arith.constant 16 : i32
    %mul3A_109 = vector.broadcast %mul3A_108 : i32 to vector<16xi32>
    %mul3A_110 = arith.muli %iota3A, %mul3A_109 : vector<16xi32>
    %add3A_111 = arith.constant 2 : i32
    %add3A_112 = vector.broadcast %add3A_111 : i32 to vector<16xi32>
    %add3A_113 = arith.addi %mul3A_110, %add3A_112 : vector<16xi32>
    %gather3A_114 = tpu.vector_load_idx %arg13[%add3A_113] : memref<256xf32, #tpu.memory_space<vmem>>[vector<16xi32>], vector<16xf32>,
    %jit3A_115 = arith.constant 0xFF800000 : f32
    %broadcast_in_dim3A_116 = vector.broadcast %jit3A_115 : f32 to vector<16xf32>
    %select_n3A_117 = arith.select %eq3A_107, %gather3A_114, %broadcast_in_dim3A_116 : vector<16xi1>, vector<16xf32>
    %reduce_max3A_118 = arith.constant true
    %reduce_max3A_119 = vector.broadcast %reduce_max3A_118 : i1 to vector<16xi1>
    %reduce_max3A_120 = tpu.scan <max>, %select_n3A_117 masked %reduce_max3A_119 : vector<16xf32>, vector<16xi1> -> vector<16xf32>
    %reduce_max3A_121 = vector.extract %reduce_max3A_120[15] : f32 from vector<16xf32>
    %eq3A_122 = arith.constant 0 : i32
    %eq3A_123 = vector.broadcast %eq3A_122 : i32 to vector<16xi32>
    %eq3A_124 = arith.cmpi eq, %iota3A, %eq3A_123 : vector<16xi32>
    %mul3A_125 = arith.constant 16 : i32
    %mul3A_126 = vector.broadcast %mul3A_125 : i32 to vector<16xi32>
    %mul3A_127 = arith.muli %iota3A, %mul3A_126 : vector<16xi32>
    %add3A_128 = arith.constant 3 : i32
    %add3A_129 = vector.broadcast %add3A_128 : i32 to vector<16xi32>
    %add3A_130 = arith.addi %mul3A_127, %add3A_129 : vector<16xi32>
    %gather3A_131 = tpu.vector_load_idx %arg13[%add3A_130] : memref<256xf32, #tpu.memory_space<vmem>>[vector<16xi32>], vector<16xf32>,
    %jit3A_132 = arith.constant 0xFF800000 : f32
    %broadcast_in_dim3A_133 = vector.broadcast %jit3A_132 : f32 to vector<16xf32>
    %select_n3A_134 = arith.select %eq3A_124, %gather3A_131, %broadcast_in_dim3A_133 : vector<16xi1>, vector<16xf32>
    %reduce_max3A_135 = arith.constant true
    %reduce_max3A_136 = vector.broadcast %reduce_max3A_135 : i1 to vector<16xi1>
    %reduce_max3A_137 = tpu.scan <max>, %select_n3A_134 masked %reduce_max3A_136 : vector<16xf32>, vector<16xi1> -> vector<16xf32>
    %reduce_max3A_138 = vector.extract %reduce_max3A_137[15] : f32 from vector<16xf32>
    %eq3A_139 = arith.constant 2147483647 : i32
    %eq3A_140 = arith.cmpi eq, %reduce_min3A_105, %eq3A_139 : i32
    %jit3A_141 = arith.constant 0 : i32
    %select_n3A_142 = arith.select %eq3A_140, %jit3A_141, %reduce_min3A_105 : i32
    %select_n3A_143 = arith.select %eq3A_140, %reduce_max3A_138, %reduce_max3A_121 : f32
    %add3A_144 = arith.constant 1.000000e+00 : f32
    %add3A_145 = arith.addf %reduce_max3A_89, %add3A_144 : f32
    %add3A_146 = arith.constant 15 : i32
    %add3A_147 = arith.addi %reduce_max3A_34, %add3A_146 : i32
    %jit3A_148 = arith.constant 16 : i32
    %div3A = arith.divsi %add3A_147, %jit3A_148 : i32
    %sign3A = arith.constant 0 : i32
    %sign3A_149 = arith.cmpi sgt, %add3A_147, %sign3A : i32
    %sign3A_150 = arith.extui %sign3A_149 : i1 to i32
    %sign3A_151 = arith.constant 0 : i32
    %sign3A_152 = arith.cmpi slt, %add3A_147, %sign3A_151 : i32
    %sign3A_153 = arith.extui %sign3A_152 : i1 to i32
    %sign3A_154 = arith.subi %sign3A_150, %sign3A_153 : i32
    %sign3A_155 = arith.constant 0 : i32
    %sign3A_156 = arith.cmpi sgt, %jit3A_148, %sign3A_155 : i32
    %sign3A_157 = arith.extui %sign3A_156 : i1 to i32
    %sign3A_158 = arith.constant 0 : i32
    %sign3A_159 = arith.cmpi slt, %jit3A_148, %sign3A_158 : i32
    %sign3A_160 = arith.extui %sign3A_159 : i1 to i32
    %sign3A_161 = arith.subi %sign3A_157, %sign3A_160 : i32
    %ne3A = arith.cmpi ne, %sign3A_154, %sign3A_161 : i32
    %rem3A = arith.remsi %add3A_147, %jit3A_148 : i32
    %ne3A_162 = arith.constant 0 : i32
    %ne3A_163 = arith.cmpi ne, %rem3A, %ne3A_162 : i32
    %and3A = arith.andi %ne3A, %ne3A_163 : i1
    %sub3A = arith.constant 1 : i32
    %sub3A_164 = arith.subi %div3A, %sub3A : i32
    %select_n3A_165 = arith.select %and3A, %sub3A_164, %div3A : i32
    %while3A = arith.constant 0 : i32
    %while3A_166 = arith.constant 0 : i32
    %while3A_167 = arith.subi %select_n3A_165, %while3A : i32
    %while3A_168 = arith.addi %while3A, %while3A_167 : i32
    %while3A_169 = arith.constant 1 : i32
    %while3A_170 = arith.divsi %while3A_167, %while3A_169 : i32
    %while3A_171 = arith.muli %while3A_170, %while3A_169 : i32
    %while3A_172 = arith.addi %while3A, %while3A_171 : i32
    %while3A_173 = arith.constant 1 : i32
    %while3A_174 = scf.for %while3A_209 = %while3A to %while3A_172 step %while3A_173 iter_args(%while3A_210 = %while3A_166) -> (i32)  : i32 {
      %mul3A_211 = arith.constant 16 : i32
      %mul3A_212 = arith.muli %while3A_209, %mul3A_211 : i32
      %add3A_213 = vector.broadcast %mul3A_212 : i32 to vector<16xi32>
      %add3A_214 = arith.addi %add3A_213, %iota3A : vector<16xi32>
      %mul3A_215 = arith.constant 8 : i32
      %mul3A_216 = vector.broadcast %mul3A_215 : i32 to vector<16xi32>
      %mul3A_217 = arith.muli %add3A_214, %mul3A_216 : vector<16xi32>
      %gather3A_218 = tpu.vector_load_idx %arg11[%mul3A_217] : memref<20480xf32, #tpu.memory_space<vmem>>[vector<16xi32>], vector<16xf32>,
      %bitcast3A_219 = vector.bitcast %gather3A_218 : vector<16xf32> to vector<16xi32>
      %sub3A_220 = vector.broadcast %mul3A_0 : i32 to vector<16xi32>
      %sub3A_221 = arith.subi %bitcast3A_219, %sub3A_220 : vector<16xi32>
      %max3A_222 = arith.constant 0 : i32
      %max3A_223 = vector.broadcast %max3A_222 : i32 to vector<16xi32>
      %max3A_224 = arith.maxsi %sub3A_221, %max3A_223 : vector<16xi32>
      %min3A_225 = arith.constant 2559 : i32
      %min3A_226 = vector.broadcast %min3A_225 : i32 to vector<16xi32>
      %min3A_227 = arith.minsi %max3A_224, %min3A_226 : vector<16xi32>
      %shift_right_arithmetic3A = arith.constant 3 : i32
      %shift_right_arithmetic3A_228 = vector.broadcast %shift_right_arithmetic3A : i32 to vector<16xi32>
      %shift_right_arithmetic3A_229 = arith.shrsi %min3A_227, %shift_right_arithmetic3A_228 : vector<16xi32>
      %and3A_230 = arith.constant 7 : i32
      %and3A_231 = vector.broadcast %and3A_230 : i32 to vector<16xi32>
      %and3A_232 = arith.andi %bitcast3A_219, %and3A_231 : vector<16xi32>
      %convert_element_type3A_233 = arith.sitofp %and3A_232 : vector<16xi32> to vector<16xf32>
      %mul3A_234 = vector.broadcast %add3A_145 : f32 to vector<16xf32>
      %mul3A_235 = arith.mulf %convert_element_type3A_233, %mul3A_234 : vector<16xf32>
      %mul3A_236 = arith.constant 4 : i32
      %mul3A_237 = vector.broadcast %mul3A_236 : i32 to vector<16xi32>
      %mul3A_238 = arith.muli %shift_right_arithmetic3A_229, %mul3A_237 : vector<16xi32>
      %gather3A_239 = tpu.vector_load_idx %arg9[%mul3A_238] : memref<1280xf32, #tpu.memory_space<vmem>>[vector<16xi32>], vector<16xf32>,
      %add3A_240 = arith.addf %gather3A_239, %mul3A_235 : vector<16xf32>
      %mul3A_241 = arith.constant 4 : i32
      %mul3A_242 = vector.broadcast %mul3A_241 : i32 to vector<16xi32>
      %mul3A_243 = arith.muli %shift_right_arithmetic3A_229, %mul3A_242 : vector<16xi32>
      %add3A_244 = arith.constant 1 : i32
      %add3A_245 = vector.broadcast %add3A_244 : i32 to vector<16xi32>
      %add3A_246 = arith.addi %mul3A_243, %add3A_245 : vector<16xi32>
      %gather3A_247 = tpu.vector_load_idx %arg9[%add3A_246] : memref<1280xf32, #tpu.memory_space<vmem>>[vector<16xi32>], vector<16xf32>,
      %add3A_248 = arith.addf %gather3A_247, %mul3A_235 : vector<16xf32>
      %mul3A_249 = arith.constant 4 : i32
      %mul3A_250 = vector.broadcast %mul3A_249 : i32 to vector<16xi32>
      %mul3A_251 = arith.muli %shift_right_arithmetic3A_229, %mul3A_250 : vector<16xi32>
      %add3A_252 = arith.constant 2 : i32
      %add3A_253 = vector.broadcast %add3A_252 : i32 to vector<16xi32>
      %add3A_254 = arith.addi %mul3A_251, %add3A_253 : vector<16xi32>
      %gather3A_255 = tpu.vector_load_idx %arg9[%add3A_254] : memref<1280xf32, #tpu.memory_space<vmem>>[vector<16xi32>], vector<16xf32>,
      %add3A_256 = arith.addf %gather3A_255, %mul3A_235 : vector<16xf32>
      %mul3A_257 = arith.constant 4 : i32
      %mul3A_258 = vector.broadcast %mul3A_257 : i32 to vector<16xi32>
      %mul3A_259 = arith.muli %shift_right_arithmetic3A_229, %mul3A_258 : vector<16xi32>
      %add3A_260 = arith.constant 3 : i32
      %add3A_261 = vector.broadcast %add3A_260 : i32 to vector<16xi32>
      %add3A_262 = arith.addi %mul3A_259, %add3A_261 : vector<16xi32>
      %gather3A_263 = tpu.vector_load_idx %arg9[%add3A_262] : memref<1280xf32, #tpu.memory_space<vmem>>[vector<16xi32>], vector<16xf32>,
      %add3A_264 = arith.addf %gather3A_263, %mul3A_235 : vector<16xf32>
      %sub3A_265 = arith.subf %add3A_256, %add3A_240 : vector<16xf32>
      %max3A_266 = arith.constant 0.000000e+00 : f32
      %max3A_267 = vector.broadcast %max3A_266 : f32 to vector<16xf32>
      %max3A_268 = arith.maximumf %sub3A_265, %max3A_267 : vector<16xf32>
      %sub3A_269 = arith.subf %add3A_264, %add3A_248 : vector<16xf32>
      %max3A_270 = arith.constant 0.000000e+00 : f32
      %max3A_271 = vector.broadcast %max3A_270 : f32 to vector<16xf32>
      %max3A_272 = arith.maximumf %sub3A_269, %max3A_271 : vector<16xf32>
      %mul3A_273 = arith.mulf %max3A_268, %max3A_272 : vector<16xf32>
      %mul3A_274 = arith.constant 8 : i32
      %mul3A_275 = vector.broadcast %mul3A_274 : i32 to vector<16xi32>
      %mul3A_276 = arith.muli %add3A_214, %mul3A_275 : vector<16xi32>
      %add3A_277 = arith.constant 1 : i32
      %add3A_278 = vector.broadcast %add3A_277 : i32 to vector<16xi32>
      %add3A_279 = arith.addi %mul3A_276, %add3A_278 : vector<16xi32>
      tpu.vector_store_idx %arg11[%add3A_279], %add3A_240 : memref<20480xf32, #tpu.memory_space<vmem>>[vector<16xi32>], vector<16xf32>,
      %mul3A_280 = arith.constant 8 : i32
      %mul3A_281 = vector.broadcast %mul3A_280 : i32 to vector<16xi32>
      %mul3A_282 = arith.muli %add3A_214, %mul3A_281 : vector<16xi32>
      %add3A_283 = arith.constant 2 : i32
      %add3A_284 = vector.broadcast %add3A_283 : i32 to vector<16xi32>
      %add3A_285 = arith.addi %mul3A_282, %add3A_284 : vector<16xi32>
      tpu.vector_store_idx %arg11[%add3A_285], %add3A_248 : memref<20480xf32, #tpu.memory_space<vmem>>[vector<16xi32>], vector<16xf32>,
      %mul3A_286 = arith.constant 8 : i32
      %mul3A_287 = vector.broadcast %mul3A_286 : i32 to vector<16xi32>
      %mul3A_288 = arith.muli %add3A_214, %mul3A_287 : vector<16xi32>
      %add3A_289 = arith.constant 3 : i32
      %add3A_290 = vector.broadcast %add3A_289 : i32 to vector<16xi32>
      %add3A_291 = arith.addi %mul3A_288, %add3A_290 : vector<16xi32>
      tpu.vector_store_idx %arg11[%add3A_291], %add3A_256 : memref<20480xf32, #tpu.memory_space<vmem>>[vector<16xi32>], vector<16xf32>,
      %mul3A_292 = arith.constant 8 : i32
      %mul3A_293 = vector.broadcast %mul3A_292 : i32 to vector<16xi32>
      %mul3A_294 = arith.muli %add3A_214, %mul3A_293 : vector<16xi32>
      %add3A_295 = arith.constant 4 : i32
      %add3A_296 = vector.broadcast %add3A_295 : i32 to vector<16xi32>
      %add3A_297 = arith.addi %mul3A_294, %add3A_296 : vector<16xi32>
      tpu.vector_store_idx %arg11[%add3A_297], %add3A_264 : memref<20480xf32, #tpu.memory_space<vmem>>[vector<16xi32>], vector<16xf32>,
      %mul3A_298 = arith.constant 8 : i32
      %mul3A_299 = vector.broadcast %mul3A_298 : i32 to vector<16xi32>
      %mul3A_300 = arith.muli %add3A_214, %mul3A_299 : vector<16xi32>
      %add3A_301 = arith.constant 5 : i32
      %add3A_302 = vector.broadcast %add3A_301 : i32 to vector<16xi32>
      %add3A_303 = arith.addi %mul3A_300, %add3A_302 : vector<16xi32>
      tpu.vector_store_idx %arg11[%add3A_303], %mul3A_273 : memref<20480xf32, #tpu.memory_space<vmem>>[vector<16xi32>], vector<16xf32>,
      %while3A_304 = arith.constant 0 : i32
      scf.yield %while3A_304 : i32
    }
    %while3A_175 = arith.constant 1 : i32
    %while3A_176 = scf.for %while3A_209 = %while3A_172 to %while3A_168 step %while3A_175 iter_args(%while3A_210 = %while3A_174) -> (i32)  : i32 {
      %mul3A_211 = arith.constant 16 : i32
      %mul3A_212 = arith.muli %while3A_209, %mul3A_211 : i32
      %add3A_213 = vector.broadcast %mul3A_212 : i32 to vector<16xi32>
      %add3A_214 = arith.addi %add3A_213, %iota3A : vector<16xi32>
      %mul3A_215 = arith.constant 8 : i32
      %mul3A_216 = vector.broadcast %mul3A_215 : i32 to vector<16xi32>
      %mul3A_217 = arith.muli %add3A_214, %mul3A_216 : vector<16xi32>
      %gather3A_218 = tpu.vector_load_idx %arg11[%mul3A_217] : memref<20480xf32, #tpu.memory_space<vmem>>[vector<16xi32>], vector<16xf32>,
      %bitcast3A_219 = vector.bitcast %gather3A_218 : vector<16xf32> to vector<16xi32>
      %sub3A_220 = vector.broadcast %mul3A_0 : i32 to vector<16xi32>
      %sub3A_221 = arith.subi %bitcast3A_219, %sub3A_220 : vector<16xi32>
      %max3A_222 = arith.constant 0 : i32
      %max3A_223 = vector.broadcast %max3A_222 : i32 to vector<16xi32>
      %max3A_224 = arith.maxsi %sub3A_221, %max3A_223 : vector<16xi32>
      %min3A_225 = arith.constant 2559 : i32
      %min3A_226 = vector.broadcast %min3A_225 : i32 to vector<16xi32>
      %min3A_227 = arith.minsi %max3A_224, %min3A_226 : vector<16xi32>
      %shift_right_arithmetic3A = arith.constant 3 : i32
      %shift_right_arithmetic3A_228 = vector.broadcast %shift_right_arithmetic3A : i32 to vector<16xi32>
      %shift_right_arithmetic3A_229 = arith.shrsi %min3A_227, %shift_right_arithmetic3A_228 : vector<16xi32>
      %and3A_230 = arith.constant 7 : i32
      %and3A_231 = vector.broadcast %and3A_230 : i32 to vector<16xi32>
      %and3A_232 = arith.andi %bitcast3A_219, %and3A_231 : vector<16xi32>
      %convert_element_type3A_233 = arith.sitofp %and3A_232 : vector<16xi32> to vector<16xf32>
      %mul3A_234 = vector.broadcast %add3A_145 : f32 to vector<16xf32>
      %mul3A_235 = arith.mulf %convert_element_type3A_233, %mul3A_234 : vector<16xf32>
      %mul3A_236 = arith.constant 4 : i32
      %mul3A_237 = vector.broadcast %mul3A_236 : i32 to vector<16xi32>
      %mul3A_238 = arith.muli %shift_right_arithmetic3A_229, %mul3A_237 : vector<16xi32>
      %gather3A_239 = tpu.vector_load_idx %arg9[%mul3A_238] : memref<1280xf32, #tpu.memory_space<vmem>>[vector<16xi32>], vector<16xf32>,
      %add3A_240 = arith.addf %gather3A_239, %mul3A_235 : vector<16xf32>
      %mul3A_241 = arith.constant 4 : i32
      %mul3A_242 = vector.broadcast %mul3A_241 : i32 to vector<16xi32>
      %mul3A_243 = arith.muli %shift_right_arithmetic3A_229, %mul3A_242 : vector<16xi32>
      %add3A_244 = arith.constant 1 : i32
      %add3A_245 = vector.broadcast %add3A_244 : i32 to vector<16xi32>
      %add3A_246 = arith.addi %mul3A_243, %add3A_245 : vector<16xi32>
      %gather3A_247 = tpu.vector_load_idx %arg9[%add3A_246] : memref<1280xf32, #tpu.memory_space<vmem>>[vector<16xi32>], vector<16xf32>,
      %add3A_248 = arith.addf %gather3A_247, %mul3A_235 : vector<16xf32>
      %mul3A_249 = arith.constant 4 : i32
      %mul3A_250 = vector.broadcast %mul3A_249 : i32 to vector<16xi32>
      %mul3A_251 = arith.muli %shift_right_arithmetic3A_229, %mul3A_250 : vector<16xi32>
      %add3A_252 = arith.constant 2 : i32
      %add3A_253 = vector.broadcast %add3A_252 : i32 to vector<16xi32>
      %add3A_254 = arith.addi %mul3A_251, %add3A_253 : vector<16xi32>
      %gather3A_255 = tpu.vector_load_idx %arg9[%add3A_254] : memref<1280xf32, #tpu.memory_space<vmem>>[vector<16xi32>], vector<16xf32>,
      %add3A_256 = arith.addf %gather3A_255, %mul3A_235 : vector<16xf32>
      %mul3A_257 = arith.constant 4 : i32
      %mul3A_258 = vector.broadcast %mul3A_257 : i32 to vector<16xi32>
      %mul3A_259 = arith.muli %shift_right_arithmetic3A_229, %mul3A_258 : vector<16xi32>
      %add3A_260 = arith.constant 3 : i32
      %add3A_261 = vector.broadcast %add3A_260 : i32 to vector<16xi32>
      %add3A_262 = arith.addi %mul3A_259, %add3A_261 : vector<16xi32>
      %gather3A_263 = tpu.vector_load_idx %arg9[%add3A_262] : memref<1280xf32, #tpu.memory_space<vmem>>[vector<16xi32>], vector<16xf32>,
      %add3A_264 = arith.addf %gather3A_263, %mul3A_235 : vector<16xf32>
      %sub3A_265 = arith.subf %add3A_256, %add3A_240 : vector<16xf32>
      %max3A_266 = arith.constant 0.000000e+00 : f32
      %max3A_267 = vector.broadcast %max3A_266 : f32 to vector<16xf32>
      %max3A_268 = arith.maximumf %sub3A_265, %max3A_267 : vector<16xf32>
      %sub3A_269 = arith.subf %add3A_264, %add3A_248 : vector<16xf32>
      %max3A_270 = arith.constant 0.000000e+00 : f32
      %max3A_271 = vector.broadcast %max3A_270 : f32 to vector<16xf32>
      %max3A_272 = arith.maximumf %sub3A_269, %max3A_271 : vector<16xf32>
      %mul3A_273 = arith.mulf %max3A_268, %max3A_272 : vector<16xf32>
      %mul3A_274 = arith.constant 8 : i32
      %mul3A_275 = vector.broadcast %mul3A_274 : i32 to vector<16xi32>
      %mul3A_276 = arith.muli %add3A_214, %mul3A_275 : vector<16xi32>
      %add3A_277 = arith.constant 1 : i32
      %add3A_278 = vector.broadcast %add3A_277 : i32 to vector<16xi32>
      %add3A_279 = arith.addi %mul3A_276, %add3A_278 : vector<16xi32>
      tpu.vector_store_idx %arg11[%add3A_279], %add3A_240 : memref<20480xf32, #tpu.memory_space<vmem>>[vector<16xi32>], vector<16xf32>,
      %mul3A_280 = arith.constant 8 : i32
      %mul3A_281 = vector.broadcast %mul3A_280 : i32 to vector<16xi32>
      %mul3A_282 = arith.muli %add3A_214, %mul3A_281 : vector<16xi32>
      %add3A_283 = arith.constant 2 : i32
      %add3A_284 = vector.broadcast %add3A_283 : i32 to vector<16xi32>
      %add3A_285 = arith.addi %mul3A_282, %add3A_284 : vector<16xi32>
      tpu.vector_store_idx %arg11[%add3A_285], %add3A_248 : memref<20480xf32, #tpu.memory_space<vmem>>[vector<16xi32>], vector<16xf32>,
      %mul3A_286 = arith.constant 8 : i32
      %mul3A_287 = vector.broadcast %mul3A_286 : i32 to vector<16xi32>
      %mul3A_288 = arith.muli %add3A_214, %mul3A_287 : vector<16xi32>
      %add3A_289 = arith.constant 3 : i32
      %add3A_290 = vector.broadcast %add3A_289 : i32 to vector<16xi32>
      %add3A_291 = arith.addi %mul3A_288, %add3A_290 : vector<16xi32>
      tpu.vector_store_idx %arg11[%add3A_291], %add3A_256 : memref<20480xf32, #tpu.memory_space<vmem>>[vector<16xi32>], vector<16xf32>,
      %mul3A_292 = arith.constant 8 : i32
      %mul3A_293 = vector.broadcast %mul3A_292 : i32 to vector<16xi32>
      %mul3A_294 = arith.muli %add3A_214, %mul3A_293 : vector<16xi32>
      %add3A_295 = arith.constant 4 : i32
      %add3A_296 = vector.broadcast %add3A_295 : i32 to vector<16xi32>
      %add3A_297 = arith.addi %mul3A_294, %add3A_296 : vector<16xi32>
      tpu.vector_store_idx %arg11[%add3A_297], %add3A_264 : memref<20480xf32, #tpu.memory_space<vmem>>[vector<16xi32>], vector<16xf32>,
      %mul3A_298 = arith.constant 8 : i32
      %mul3A_299 = vector.broadcast %mul3A_298 : i32 to vector<16xi32>
      %mul3A_300 = arith.muli %add3A_214, %mul3A_299 : vector<16xi32>
      %add3A_301 = arith.constant 5 : i32
      %add3A_302 = vector.broadcast %add3A_301 : i32 to vector<16xi32>
      %add3A_303 = arith.addi %mul3A_300, %add3A_302 : vector<16xi32>
      tpu.vector_store_idx %arg11[%add3A_303], %mul3A_273 : memref<20480xf32, #tpu.memory_space<vmem>>[vector<16xi32>], vector<16xf32>,
      %while3A_304 = arith.constant 0 : i32
      scf.yield %while3A_304 : i32
    }
    %scan3A_177 = arith.constant 0 : i32
    %scan3A_178 = arith.constant 0 : i32
    %scan3A_179 = arith.constant 112 : i32
    %scan3A_180 = arith.addi %scan3A_178, %scan3A_179 : i32
    %scan3A_181 = arith.constant 1 : i32
    %scan3A_182 = scf.for %scan3A_209 = %scan3A_178 to %scan3A_180 step %scan3A_181 iter_args(%scan3A_210 = %scan3A_177) -> (i32)  : i32 {
      %broadcast_in_dim3A_211 = vector.broadcast %select_n3A_142 : i32 to vector<16xi32>
      %mul3A_212 = arith.constant 16 : i32
      %mul3A_213 = arith.muli %scan3A_209, %mul3A_212 : i32
      %swap3A_214 = arith.index_cast %mul3A_213 : i32 to index
      %swap3A_215 = tpu.vector_load %arg15[%swap3A_214] {strides = array<i32>} : memref<1792xi32, #tpu.memory_space<vmem>>, vector<16xi32>,
      tpu.vector_store %arg15[%swap3A_214], %broadcast_in_dim3A_211 {strides = array<i32>} : memref<1792xi32, #tpu.memory_space<vmem>>, vector<16xi32>,
      %broadcast_in_dim3A_216 = vector.broadcast %select_n3A_143 : f32 to vector<16xf32>
      %mul3A_217 = arith.constant 16 : i32
      %mul3A_218 = arith.muli %scan3A_209, %mul3A_217 : i32
      %swap3A_219 = arith.index_cast %mul3A_218 : i32 to index
      %swap3A_220 = tpu.vector_load %arg16[%swap3A_219] {strides = array<i32>} : memref<1792xf32, #tpu.memory_space<vmem>>, vector<16xf32>,
      tpu.vector_store %arg16[%swap3A_219], %broadcast_in_dim3A_216 {strides = array<i32>} : memref<1792xf32, #tpu.memory_space<vmem>>, vector<16xf32>,
      %scan3A_221 = arith.constant 0 : i32
      scf.yield %scan3A_221 : i32
    }
    %scan3A_183 = arith.constant 112 : i32
    %get3A = arith.constant 0 : index
    %get3A_184 = tpu.vector_load %arg20[%get3A] {strides = array<i32>} : memref<16xi32, #tpu.memory_space<vmem>>, vector<16xi32>,
    %reduce_max3A_185 = arith.constant true
    %reduce_max3A_186 = vector.broadcast %reduce_max3A_185 : i1 to vector<16xi1>
    %reduce_max3A_187 = arith.constant -2147483648 : i32
    %reduce_max3A_188 = vector.broadcast %reduce_max3A_187 : i32 to vector<16xi32>
    %reduce_max3A_189 = arith.xori %get3A_184, %reduce_max3A_188 : vector<16xi32>
    %reduce_max3A_190 = tpu.scan <max>, %reduce_max3A_189 masked %reduce_max3A_186 : vector<16xi32>, vector<16xi1> -> vector<16xi32>
    %reduce_max3A_191 = arith.xori %reduce_max3A_190, %reduce_max3A_188 : vector<16xi32>
    %reduce_max3A_192 = vector.extract %reduce_max3A_191[15] : i32 from vector<16xi32>
    %min3A = arith.constant 100 : i32
    %min3A_193 = arith.minsi %min3A, %reduce_max3A_192 : i32
    %sub3A_194 = arith.constant 1 : i32
    %sub3A_195 = vector.broadcast %sub3A_194 : i32 to vector<16xi32>
    %sub3A_196 = arith.subi %iota3A, %sub3A_195 : vector<16xi32>
    %max3A = arith.constant 0 : i32
    %max3A_197 = vector.broadcast %max3A : i32 to vector<16xi32>
    %max3A_198 = arith.maxsi %sub3A_196, %max3A_197 : vector<16xi32>
    %min3A_199 = arith.constant 7 : i32
    %min3A_200 = vector.broadcast %min3A_199 : i32 to vector<16xi32>
    %min3A_201 = arith.minsi %max3A_198, %min3A_200 : vector<16xi32>
    %while3A_202 = arith.constant 0 : i32
    %while3A_203 = arith.constant 0 : i32
    %while3A_204 = arith.constant 1 : i32
    %while3A_205:3 = scf.while (%while3A_209 = %while3A_202, %while3A_210 = %while3A_203, %while3A_211 = %while3A_204) : (i32, i32, i32) -> (i32, i32, i32) {
      %lt3A = arith.cmpi slt, %while3A_209, %min3A_193 : i32
      %eq3A_212 = arith.constant 1 : i32
      %eq3A_213 = arith.cmpi eq, %while3A_211, %eq3A_212 : i32
      %and3A_214 = arith.andi %lt3A, %eq3A_213 : i1
      scf.condition(%and3A_214) %while3A_209, %while3A_210, %while3A_211 : i32, i32, i32
    } do {
    ^bb0(%while3A_209: i32, %while3A_210: i32, %while3A_211: i32):
      %broadcast_in_dim3A_212 = arith.constant 0xFF800000 : f32
      %broadcast_in_dim3A_213 = vector.broadcast %broadcast_in_dim3A_212 : f32 to vector<16xf32>
      %while3A_214 = arith.constant -1 : i32
      %while3A_215 = arith.constant 0 : i32
      %while3A_216 = arith.subi %select_n3A_165, %while3A_215 : i32
      %while3A_217 = arith.addi %while3A_215, %while3A_216 : i32
      %while3A_218 = arith.constant 1 : i32
      %while3A_219 = arith.divsi %while3A_216, %while3A_218 : i32
      %while3A_220 = arith.muli %while3A_219, %while3A_218 : i32
      %while3A_221 = arith.addi %while3A_215, %while3A_220 : i32
      %while3A_222 = arith.constant 1 : i32
      %while3A_223:2 = scf.for %while3A_705 = %while3A_215 to %while3A_221 step %while3A_222 iter_args(%while3A_706 = %broadcast_in_dim3A_213, %while3A_707 = %broadcast_in_dim3A_1) -> (vector<16xf32>, vector<16xi32>)  : i32 {
        %mul3A_708 = arith.constant 16 : i32
        %mul3A_709 = arith.muli %while3A_705, %mul3A_708 : i32
        %get3A_710 = arith.index_cast %mul3A_709 : i32 to index
        %get3A_711 = tpu.vector_load %arg10[%get3A_710] {strides = array<i32>} : memref<2560xf32, #tpu.memory_space<vmem>>, vector<16xf32>,
        %mul3A_712 = arith.constant 16 : i32
        %mul3A_713 = arith.muli %while3A_705, %mul3A_712 : i32
        %add3A_714 = vector.broadcast %mul3A_713 : i32 to vector<16xi32>
        %add3A_715 = arith.addi %add3A_714, %iota3A : vector<16xi32>
        %eq3A_716 = vector.broadcast %while3A_214 : i32 to vector<16xi32>
        %eq3A_717 = arith.cmpi eq, %add3A_715, %eq3A_716 : vector<16xi32>
        %jit3A_718 = arith.constant 0xFF800000 : f32
        %broadcast_in_dim3A_719 = vector.broadcast %jit3A_718 : f32 to vector<16xf32>
        %select_n3A_720 = arith.select %eq3A_717, %broadcast_in_dim3A_719, %get3A_711 : vector<16xi1>, vector<16xf32>
        %gt3A_721 = arith.cmpf ogt, %select_n3A_720, %while3A_706 : vector<16xf32>
        %select_n3A_722 = arith.select %gt3A_721, %select_n3A_720, %while3A_706 : vector<16xi1>, vector<16xf32>
        %broadcast_in_dim3A_723 = vector.broadcast %while3A_705 : i32 to vector<16xi32>
        %select_n3A_724 = arith.select %gt3A_721, %broadcast_in_dim3A_723, %while3A_707 : vector<16xi1>, vector<16xi32>
        scf.yield %select_n3A_722, %select_n3A_724 : vector<16xf32>, vector<16xi32>
      }
      %while3A_224 = arith.constant 1 : i32
      %while3A_225:2 = scf.for %while3A_705 = %while3A_221 to %while3A_217 step %while3A_224 iter_args(%while3A_706 = %while3A_223#0, %while3A_707 = %while3A_223#1) -> (vector<16xf32>, vector<16xi32>)  : i32 {
        %mul3A_708 = arith.constant 16 : i32
        %mul3A_709 = arith.muli %while3A_705, %mul3A_708 : i32
        %get3A_710 = arith.index_cast %mul3A_709 : i32 to index
        %get3A_711 = tpu.vector_load %arg10[%get3A_710] {strides = array<i32>} : memref<2560xf32, #tpu.memory_space<vmem>>, vector<16xf32>,
        %mul3A_712 = arith.constant 16 : i32
        %mul3A_713 = arith.muli %while3A_705, %mul3A_712 : i32
        %add3A_714 = vector.broadcast %mul3A_713 : i32 to vector<16xi32>
        %add3A_715 = arith.addi %add3A_714, %iota3A : vector<16xi32>
        %eq3A_716 = vector.broadcast %while3A_214 : i32 to vector<16xi32>
        %eq3A_717 = arith.cmpi eq, %add3A_715, %eq3A_716 : vector<16xi32>
        %jit3A_718 = arith.constant 0xFF800000 : f32
        %broadcast_in_dim3A_719 = vector.broadcast %jit3A_718 : f32 to vector<16xf32>
        %select_n3A_720 = arith.select %eq3A_717, %broadcast_in_dim3A_719, %get3A_711 : vector<16xi1>, vector<16xf32>
        %gt3A_721 = arith.cmpf ogt, %select_n3A_720, %while3A_706 : vector<16xf32>
        %select_n3A_722 = arith.select %gt3A_721, %select_n3A_720, %while3A_706 : vector<16xi1>, vector<16xf32>
        %broadcast_in_dim3A_723 = vector.broadcast %while3A_705 : i32 to vector<16xi32>
        %select_n3A_724 = arith.select %gt3A_721, %broadcast_in_dim3A_723, %while3A_707 : vector<16xi1>, vector<16xi32>
        scf.yield %select_n3A_722, %select_n3A_724 : vector<16xf32>, vector<16xi32>
      }
      %reduce_max3A_226 = arith.constant true
      %reduce_max3A_227 = vector.broadcast %reduce_max3A_226 : i1 to vector<16xi1>
      %reduce_max3A_228 = tpu.scan <max>, %while3A_225#0 masked %reduce_max3A_227 : vector<16xf32>, vector<16xi1> -> vector<16xf32>
      %reduce_max3A_229 = vector.extract %reduce_max3A_228[15] : f32 from vector<16xf32>
      %mul3A_230 = arith.constant 16 : i32
      %mul3A_231 = vector.broadcast %mul3A_230 : i32 to vector<16xi32>
      %mul3A_232 = arith.muli %while3A_225#1, %mul3A_231 : vector<16xi32>
      %add3A_233 = arith.addi %mul3A_232, %iota3A : vector<16xi32>
      %mul3A_234 = arith.constant 8 : i32
      %mul3A_235 = vector.broadcast %mul3A_234 : i32 to vector<16xi32>
      %mul3A_236 = arith.muli %add3A_233, %mul3A_235 : vector<16xi32>
      %gather3A_237 = tpu.vector_load_idx %arg11[%mul3A_236] : memref<20480xf32, #tpu.memory_space<vmem>>[vector<16xi32>], vector<16xf32>,
      %bitcast3A_238 = vector.bitcast %gather3A_237 : vector<16xf32> to vector<16xi32>
      %eq3A_239 = vector.broadcast %reduce_max3A_229 : f32 to vector<16xf32>
      %eq3A_240 = arith.cmpf oeq, %while3A_225#0, %eq3A_239 : vector<16xf32>
      %jit3A_241 = arith.constant 2147483647 : i32
      %broadcast_in_dim3A_242 = vector.broadcast %jit3A_241 : i32 to vector<16xi32>
      %select_n3A_243 = arith.select %eq3A_240, %bitcast3A_238, %broadcast_in_dim3A_242 : vector<16xi1>, vector<16xi32>
      %reduce_min3A_244 = arith.constant true
      %reduce_min3A_245 = vector.broadcast %reduce_min3A_244 : i1 to vector<16xi1>
      %reduce_min3A_246 = arith.constant -2147483648 : i32
      %reduce_min3A_247 = vector.broadcast %reduce_min3A_246 : i32 to vector<16xi32>
      %reduce_min3A_248 = arith.xori %select_n3A_243, %reduce_min3A_247 : vector<16xi32>
      %reduce_min3A_249 = tpu.scan <min>, %reduce_min3A_248 masked %reduce_min3A_245 : vector<16xi32>, vector<16xi1> -> vector<16xi32>
      %reduce_min3A_250 = arith.xori %reduce_min3A_249, %reduce_min3A_247 : vector<16xi32>
      %reduce_min3A_251 = vector.extract %reduce_min3A_250[15] : i32 from vector<16xi32>
      %eq3A_252 = vector.broadcast %reduce_min3A_251 : i32 to vector<16xi32>
      %eq3A_253 = arith.cmpi eq, %bitcast3A_238, %eq3A_252 : vector<16xi32>
      %and3A_254 = arith.andi %eq3A_240, %eq3A_253 : vector<16xi1>
      %jit3A_255 = arith.constant 2147483647 : i32
      %broadcast_in_dim3A_256 = vector.broadcast %jit3A_255 : i32 to vector<16xi32>
      %select_n3A_257 = arith.select %and3A_254, %add3A_233, %broadcast_in_dim3A_256 : vector<16xi1>, vector<16xi32>
      %reduce_min3A_258 = arith.constant true
      %reduce_min3A_259 = vector.broadcast %reduce_min3A_258 : i1 to vector<16xi1>
      %reduce_min3A_260 = arith.constant -2147483648 : i32
      %reduce_min3A_261 = vector.broadcast %reduce_min3A_260 : i32 to vector<16xi32>
      %reduce_min3A_262 = arith.xori %select_n3A_257, %reduce_min3A_261 : vector<16xi32>
      %reduce_min3A_263 = tpu.scan <min>, %reduce_min3A_262 masked %reduce_min3A_259 : vector<16xi32>, vector<16xi1> -> vector<16xi32>
      %reduce_min3A_264 = arith.xori %reduce_min3A_263, %reduce_min3A_261 : vector<16xi32>
      %reduce_min3A_265 = vector.extract %reduce_min3A_264[15] : i32 from vector<16xi32>
      %max3A_266 = arith.constant 0 : i32
      %max3A_267 = arith.maxsi %reduce_min3A_265, %max3A_266 : i32
      %min3A_268 = arith.constant 2559 : i32
      %min3A_269 = arith.minsi %max3A_267, %min3A_268 : i32
      %mul3A_270 = arith.constant 8 : i32
      %mul3A_271 = arith.muli %min3A_269, %mul3A_270 : i32
      %broadcast_in_dim3A_272 = vector.broadcast %mul3A_271 : i32 to vector<16xi32>
      %add3A_273 = arith.addi %broadcast_in_dim3A_272, %min3A_201 : vector<16xi32>
      %gather3A_274 = tpu.vector_load_idx %arg11[%add3A_273] : memref<20480xf32, #tpu.memory_space<vmem>>[vector<16xi32>], vector<16xf32>,
      %eq3A_275 = arith.constant 0 : i32
      %eq3A_276 = vector.broadcast %eq3A_275 : i32 to vector<16xi32>
      %eq3A_277 = arith.cmpi eq, %iota3A, %eq3A_276 : vector<16xi32>
      %broadcast_in_dim3A_278 = vector.broadcast %reduce_max3A_229 : f32 to vector<16xf32>
      %select_n3A_279 = arith.select %eq3A_277, %broadcast_in_dim3A_278, %gather3A_274 : vector<16xi1>, vector<16xf32>
      %gt3A_280 = arith.constant 0xFF800000 : f32
      %gt3A_281 = arith.cmpf ogt, %reduce_max3A_229, %gt3A_280 : f32
      %jit3A_282 = arith.constant -1 : i32
      %select_n3A_283 = arith.select %gt3A_281, %min3A_269, %jit3A_282 : i32
      %broadcast_in_dim3A_284 = arith.constant 0xFF800000 : f32
      %broadcast_in_dim3A_285 = vector.broadcast %broadcast_in_dim3A_284 : f32 to vector<16xf32>
      %while3A_286 = arith.constant 0 : i32
      %while3A_287 = arith.subi %select_n3A_165, %while3A_286 : i32
      %while3A_288 = arith.addi %while3A_286, %while3A_287 : i32
      %while3A_289 = arith.constant 1 : i32
      %while3A_290 = arith.divsi %while3A_287, %while3A_289 : i32
      %while3A_291 = arith.muli %while3A_290, %while3A_289 : i32
      %while3A_292 = arith.addi %while3A_286, %while3A_291 : i32
      %while3A_293 = arith.constant 1 : i32
      %while3A_294:2 = scf.for %while3A_705 = %while3A_286 to %while3A_292 step %while3A_293 iter_args(%while3A_706 = %broadcast_in_dim3A_285, %while3A_707 = %broadcast_in_dim3A_1) -> (vector<16xf32>, vector<16xi32>)  : i32 {
        %mul3A_708 = arith.constant 16 : i32
        %mul3A_709 = arith.muli %while3A_705, %mul3A_708 : i32
        %get3A_710 = arith.index_cast %mul3A_709 : i32 to index
        %get3A_711 = tpu.vector_load %arg10[%get3A_710] {strides = array<i32>} : memref<2560xf32, #tpu.memory_space<vmem>>, vector<16xf32>,
        %mul3A_712 = arith.constant 16 : i32
        %mul3A_713 = arith.muli %while3A_705, %mul3A_712 : i32
        %add3A_714 = vector.broadcast %mul3A_713 : i32 to vector<16xi32>
        %add3A_715 = arith.addi %add3A_714, %iota3A : vector<16xi32>
        %eq3A_716 = vector.broadcast %select_n3A_283 : i32 to vector<16xi32>
        %eq3A_717 = arith.cmpi eq, %add3A_715, %eq3A_716 : vector<16xi32>
        %jit3A_718 = arith.constant 0xFF800000 : f32
        %broadcast_in_dim3A_719 = vector.broadcast %jit3A_718 : f32 to vector<16xf32>
        %select_n3A_720 = arith.select %eq3A_717, %broadcast_in_dim3A_719, %get3A_711 : vector<16xi1>, vector<16xf32>
        %gt3A_721 = arith.cmpf ogt, %select_n3A_720, %while3A_706 : vector<16xf32>
        %select_n3A_722 = arith.select %gt3A_721, %select_n3A_720, %while3A_706 : vector<16xi1>, vector<16xf32>
        %broadcast_in_dim3A_723 = vector.broadcast %while3A_705 : i32 to vector<16xi32>
        %select_n3A_724 = arith.select %gt3A_721, %broadcast_in_dim3A_723, %while3A_707 : vector<16xi1>, vector<16xi32>
        scf.yield %select_n3A_722, %select_n3A_724 : vector<16xf32>, vector<16xi32>
      }
      %while3A_295 = arith.constant 1 : i32
      %while3A_296:2 = scf.for %while3A_705 = %while3A_292 to %while3A_288 step %while3A_295 iter_args(%while3A_706 = %while3A_294#0, %while3A_707 = %while3A_294#1) -> (vector<16xf32>, vector<16xi32>)  : i32 {
        %mul3A_708 = arith.constant 16 : i32
        %mul3A_709 = arith.muli %while3A_705, %mul3A_708 : i32
        %get3A_710 = arith.index_cast %mul3A_709 : i32 to index
        %get3A_711 = tpu.vector_load %arg10[%get3A_710] {strides = array<i32>} : memref<2560xf32, #tpu.memory_space<vmem>>, vector<16xf32>,
        %mul3A_712 = arith.constant 16 : i32
        %mul3A_713 = arith.muli %while3A_705, %mul3A_712 : i32
        %add3A_714 = vector.broadcast %mul3A_713 : i32 to vector<16xi32>
        %add3A_715 = arith.addi %add3A_714, %iota3A : vector<16xi32>
        %eq3A_716 = vector.broadcast %select_n3A_283 : i32 to vector<16xi32>
        %eq3A_717 = arith.cmpi eq, %add3A_715, %eq3A_716 : vector<16xi32>
        %jit3A_718 = arith.constant 0xFF800000 : f32
        %broadcast_in_dim3A_719 = vector.broadcast %jit3A_718 : f32 to vector<16xf32>
        %select_n3A_720 = arith.select %eq3A_717, %broadcast_in_dim3A_719, %get3A_711 : vector<16xi1>, vector<16xf32>
        %gt3A_721 = arith.cmpf ogt, %select_n3A_720, %while3A_706 : vector<16xf32>
        %select_n3A_722 = arith.select %gt3A_721, %select_n3A_720, %while3A_706 : vector<16xi1>, vector<16xf32>
        %broadcast_in_dim3A_723 = vector.broadcast %while3A_705 : i32 to vector<16xi32>
        %select_n3A_724 = arith.select %gt3A_721, %broadcast_in_dim3A_723, %while3A_707 : vector<16xi1>, vector<16xi32>
        scf.yield %select_n3A_722, %select_n3A_724 : vector<16xf32>, vector<16xi32>
      }
      %reduce_max3A_297 = arith.constant true
      %reduce_max3A_298 = vector.broadcast %reduce_max3A_297 : i1 to vector<16xi1>
      %reduce_max3A_299 = tpu.scan <max>, %while3A_296#0 masked %reduce_max3A_298 : vector<16xf32>, vector<16xi1> -> vector<16xf32>
      %reduce_max3A_300 = vector.extract %reduce_max3A_299[15] : f32 from vector<16xf32>
      %mul3A_301 = arith.constant 16 : i32
      %mul3A_302 = vector.broadcast %mul3A_301 : i32 to vector<16xi32>
      %mul3A_303 = arith.muli %while3A_296#1, %mul3A_302 : vector<16xi32>
      %add3A_304 = arith.addi %mul3A_303, %iota3A : vector<16xi32>
      %mul3A_305 = arith.constant 8 : i32
      %mul3A_306 = vector.broadcast %mul3A_305 : i32 to vector<16xi32>
      %mul3A_307 = arith.muli %add3A_304, %mul3A_306 : vector<16xi32>
      %gather3A_308 = tpu.vector_load_idx %arg11[%mul3A_307] : memref<20480xf32, #tpu.memory_space<vmem>>[vector<16xi32>], vector<16xf32>,
      %bitcast3A_309 = vector.bitcast %gather3A_308 : vector<16xf32> to vector<16xi32>
      %eq3A_310 = vector.broadcast %reduce_max3A_300 : f32 to vector<16xf32>
      %eq3A_311 = arith.cmpf oeq, %while3A_296#0, %eq3A_310 : vector<16xf32>
      %jit3A_312 = arith.constant 2147483647 : i32
      %broadcast_in_dim3A_313 = vector.broadcast %jit3A_312 : i32 to vector<16xi32>
      %select_n3A_314 = arith.select %eq3A_311, %bitcast3A_309, %broadcast_in_dim3A_313 : vector<16xi1>, vector<16xi32>
      %reduce_min3A_315 = arith.constant true
      %reduce_min3A_316 = vector.broadcast %reduce_min3A_315 : i1 to vector<16xi1>
      %reduce_min3A_317 = arith.constant -2147483648 : i32
      %reduce_min3A_318 = vector.broadcast %reduce_min3A_317 : i32 to vector<16xi32>
      %reduce_min3A_319 = arith.xori %select_n3A_314, %reduce_min3A_318 : vector<16xi32>
      %reduce_min3A_320 = tpu.scan <min>, %reduce_min3A_319 masked %reduce_min3A_316 : vector<16xi32>, vector<16xi1> -> vector<16xi32>
      %reduce_min3A_321 = arith.xori %reduce_min3A_320, %reduce_min3A_318 : vector<16xi32>
      %reduce_min3A_322 = vector.extract %reduce_min3A_321[15] : i32 from vector<16xi32>
      %eq3A_323 = vector.broadcast %reduce_min3A_322 : i32 to vector<16xi32>
      %eq3A_324 = arith.cmpi eq, %bitcast3A_309, %eq3A_323 : vector<16xi32>
      %and3A_325 = arith.andi %eq3A_311, %eq3A_324 : vector<16xi1>
      %jit3A_326 = arith.constant 2147483647 : i32
      %broadcast_in_dim3A_327 = vector.broadcast %jit3A_326 : i32 to vector<16xi32>
      %select_n3A_328 = arith.select %and3A_325, %add3A_304, %broadcast_in_dim3A_327 : vector<16xi1>, vector<16xi32>
      %reduce_min3A_329 = arith.constant true
      %reduce_min3A_330 = vector.broadcast %reduce_min3A_329 : i1 to vector<16xi1>
      %reduce_min3A_331 = arith.constant -2147483648 : i32
      %reduce_min3A_332 = vector.broadcast %reduce_min3A_331 : i32 to vector<16xi32>
      %reduce_min3A_333 = arith.xori %select_n3A_328, %reduce_min3A_332 : vector<16xi32>
      %reduce_min3A_334 = tpu.scan <min>, %reduce_min3A_333 masked %reduce_min3A_330 : vector<16xi32>, vector<16xi1> -> vector<16xi32>
      %reduce_min3A_335 = arith.xori %reduce_min3A_334, %reduce_min3A_332 : vector<16xi32>
      %reduce_min3A_336 = vector.extract %reduce_min3A_335[15] : i32 from vector<16xi32>
      %max3A_337 = arith.constant 0 : i32
      %max3A_338 = arith.maxsi %reduce_min3A_336, %max3A_337 : i32
      %min3A_339 = arith.constant 2559 : i32
      %min3A_340 = arith.minsi %max3A_338, %min3A_339 : i32
      %mul3A_341 = arith.constant 8 : i32
      %mul3A_342 = arith.muli %min3A_340, %mul3A_341 : i32
      %broadcast_in_dim3A_343 = vector.broadcast %mul3A_342 : i32 to vector<16xi32>
      %add3A_344 = arith.addi %broadcast_in_dim3A_343, %min3A_201 : vector<16xi32>
      %gather3A_345 = tpu.vector_load_idx %arg11[%add3A_344] : memref<20480xf32, #tpu.memory_space<vmem>>[vector<16xi32>], vector<16xf32>,
      %eq3A_346 = arith.constant 0 : i32
      %eq3A_347 = vector.broadcast %eq3A_346 : i32 to vector<16xi32>
      %eq3A_348 = arith.cmpi eq, %iota3A, %eq3A_347 : vector<16xi32>
      %broadcast_in_dim3A_349 = vector.broadcast %reduce_max3A_300 : f32 to vector<16xf32>
      %select_n3A_350 = arith.select %eq3A_348, %broadcast_in_dim3A_349, %gather3A_345 : vector<16xi1>, vector<16xf32>
      %swap3A_351 = arith.constant 0 : index
      %swap3A_352 = tpu.vector_load %arg12[%swap3A_351] {strides = array<i32>} : memref<32xf32, #tpu.memory_space<vmem>>, vector<16xf32>,
      tpu.vector_store %arg12[%swap3A_351], %select_n3A_279 {strides = array<i32>} : memref<32xf32, #tpu.memory_space<vmem>>, vector<16xf32>,
      %swap3A_353 = arith.constant 16 : index
      %swap3A_354 = tpu.vector_load %arg12[%swap3A_353] {strides = array<i32>} : memref<32xf32, #tpu.memory_space<vmem>>, vector<16xf32>,
      tpu.vector_store %arg12[%swap3A_353], %select_n3A_350 {strides = array<i32>} : memref<32xf32, #tpu.memory_space<vmem>>, vector<16xf32>,
      %and3A_355 = arith.constant 1 : i32
      %and3A_356 = arith.andi %while3A_210, %and3A_355 : i32
      %mul3A_357 = arith.constant 512 : i32
      %mul3A_358 = arith.muli %and3A_356, %mul3A_357 : i32
      %mul3A_359 = arith.constant 32 : i32
      %mul3A_360 = arith.muli %arg1, %mul3A_359 : i32
      %add3A_361 = arith.addi %mul3A_358, %mul3A_360 : i32
      "tpu.region"() ({
        %run_scoped3A = tpu.sem_alloc : memref<!tpu.dma_semaphore, #tpu.memory_space<semaphore_mem>>
        %dma_start3A = tpu.memref_slice %arg22[%add3A_361] : memref<2048xf32, #tpu.memory_space<vmem_shared>> -> memref<32xf32, #tpu.memory_space<vmem_shared>>
        %dma_start3A_705 = tpu.memref_slice %arg22[%add3A_361] : memref<2048xf32, #tpu.memory_space<vmem_shared>> -> memref<32xf32, #tpu.memory_space<vmem_shared>>
        tpu.enqueue_dma source(%arg12 : memref<32xf32, #tpu.memory_space<vmem>>) target(%dma_start3A_705 : memref<32xf32, #tpu.memory_space<vmem_shared>>) target_semaphore(%run_scoped3A : memref<!tpu.dma_semaphore, #tpu.memory_space<semaphore_mem>>)
        %dma_wait3A = tpu.memref_slice %arg22[%add3A_361] : memref<2048xf32, #tpu.memory_space<vmem_shared>> -> memref<32xf32, #tpu.memory_space<vmem_shared>>
        %dma_wait3A_706 = tpu.memref_slice %arg22[%add3A_361] : memref<2048xf32, #tpu.memory_space<vmem_shared>> -> memref<32xf32, #tpu.memory_space<vmem_shared>>
        tpu.wait_dma2 semaphore(%run_scoped3A : memref<!tpu.dma_semaphore, #tpu.memory_space<semaphore_mem>>) src(%arg12 : memref<32xf32, #tpu.memory_space<vmem>>) dst(%dma_wait3A_706 : memref<32xf32, #tpu.memory_space<vmem_shared>>)
        tpu.yield
      }) : () -> ()
      %barrier3A_362 = arith.constant 0 : index
      tpu.barrier barrier_id(%barrier3A_362)
      %mul3A_363 = arith.constant 512 : i32
      %mul3A_364 = arith.muli %and3A_356, %mul3A_363 : i32
      "tpu.region"() ({
        %run_scoped3A = tpu.sem_alloc : memref<!tpu.dma_semaphore, #tpu.memory_space<semaphore_mem>>
        %dma_start3A = tpu.memref_slice %arg22[%mul3A_364] : memref<2048xf32, #tpu.memory_space<vmem_shared>> -> memref<512xf32, #tpu.memory_space<vmem_shared>>
        %dma_start3A_705 = tpu.memref_slice %arg22[%mul3A_364] : memref<2048xf32, #tpu.memory_space<vmem_shared>> -> memref<512xf32, #tpu.memory_space<vmem_shared>>
        tpu.enqueue_dma source(%dma_start3A_705 : memref<512xf32, #tpu.memory_space<vmem_shared>>) target(%arg14 : memref<512xf32, #tpu.memory_space<vmem>>) target_semaphore(%run_scoped3A : memref<!tpu.dma_semaphore, #tpu.memory_space<semaphore_mem>>)
        %dma_wait3A = tpu.memref_slice %arg22[%mul3A_364] : memref<2048xf32, #tpu.memory_space<vmem_shared>> -> memref<512xf32, #tpu.memory_space<vmem_shared>>
        %dma_wait3A_706 = tpu.memref_slice %arg22[%mul3A_364] : memref<2048xf32, #tpu.memory_space<vmem_shared>> -> memref<512xf32, #tpu.memory_space<vmem_shared>>
        tpu.wait_dma2 semaphore(%run_scoped3A : memref<!tpu.dma_semaphore, #tpu.memory_space<semaphore_mem>>) src(%dma_wait3A_706 : memref<512xf32, #tpu.memory_space<vmem_shared>>) dst(%arg14 : memref<512xf32, #tpu.memory_space<vmem>>)
        tpu.yield
      }) : () -> ()
      %mul3A_365 = arith.constant 32 : i32
      %mul3A_366 = vector.broadcast %mul3A_365 : i32 to vector<16xi32>
      %mul3A_367 = arith.muli %iota3A, %mul3A_366 : vector<16xi32>
      %add3A_368 = arith.constant 0 : i32
      %add3A_369 = vector.broadcast %add3A_368 : i32 to vector<16xi32>
      %add3A_370 = arith.addi %mul3A_367, %add3A_369 : vector<16xi32>
      %gather3A_371 = tpu.vector_load_idx %arg14[%add3A_370] : memref<512xf32, #tpu.memory_space<vmem>>[vector<16xi32>], vector<16xf32>,
      %mul3A_372 = arith.constant 32 : i32
      %mul3A_373 = vector.broadcast %mul3A_372 : i32 to vector<16xi32>
      %mul3A_374 = arith.muli %iota3A, %mul3A_373 : vector<16xi32>
      %add3A_375 = arith.constant 1 : i32
      %add3A_376 = vector.broadcast %add3A_375 : i32 to vector<16xi32>
      %add3A_377 = arith.addi %mul3A_374, %add3A_376 : vector<16xi32>
      %gather3A_378 = tpu.vector_load_idx %arg14[%add3A_377] : memref<512xf32, #tpu.memory_space<vmem>>[vector<16xi32>], vector<16xf32>,
      %bitcast3A_379 = vector.bitcast %gather3A_378 : vector<16xf32> to vector<16xi32>
      %reduce_max3A_380 = arith.constant true
      %reduce_max3A_381 = vector.broadcast %reduce_max3A_380 : i1 to vector<16xi1>
      %reduce_max3A_382 = tpu.scan <max>, %gather3A_371 masked %reduce_max3A_381 : vector<16xf32>, vector<16xi1> -> vector<16xf32>
      %reduce_max3A_383 = vector.extract %reduce_max3A_382[15] : f32 from vector<16xf32>
      %gt3A_384 = arith.constant 0xFF800000 : f32
      %gt3A_385 = arith.cmpf ogt, %reduce_max3A_383, %gt3A_384 : f32
      %eq3A_386 = vector.broadcast %reduce_max3A_383 : f32 to vector<16xf32>
      %eq3A_387 = arith.cmpf oeq, %gather3A_371, %eq3A_386 : vector<16xf32>
      %jit3A_388 = arith.constant 2147483647 : i32
      %broadcast_in_dim3A_389 = vector.broadcast %jit3A_388 : i32 to vector<16xi32>
      %select_n3A_390 = arith.select %eq3A_387, %bitcast3A_379, %broadcast_in_dim3A_389 : vector<16xi1>, vector<16xi32>
      %reduce_min3A_391 = arith.constant true
      %reduce_min3A_392 = vector.broadcast %reduce_min3A_391 : i1 to vector<16xi1>
      %reduce_min3A_393 = arith.constant -2147483648 : i32
      %reduce_min3A_394 = vector.broadcast %reduce_min3A_393 : i32 to vector<16xi32>
      %reduce_min3A_395 = arith.xori %select_n3A_390, %reduce_min3A_394 : vector<16xi32>
      %reduce_min3A_396 = tpu.scan <min>, %reduce_min3A_395 masked %reduce_min3A_392 : vector<16xi32>, vector<16xi1> -> vector<16xi32>
      %reduce_min3A_397 = arith.xori %reduce_min3A_396, %reduce_min3A_394 : vector<16xi32>
      %reduce_min3A_398 = vector.extract %reduce_min3A_397[15] : i32 from vector<16xi32>
      %eq3A_399 = vector.broadcast %reduce_min3A_398 : i32 to vector<16xi32>
      %eq3A_400 = arith.cmpi eq, %bitcast3A_379, %eq3A_399 : vector<16xi32>
      %and3A_401 = arith.andi %eq3A_387, %eq3A_400 : vector<16xi1>
      %jit3A_402 = arith.constant 16 : i32
      %broadcast_in_dim3A_403 = vector.broadcast %jit3A_402 : i32 to vector<16xi32>
      %select_n3A_404 = arith.select %and3A_401, %iota3A, %broadcast_in_dim3A_403 : vector<16xi1>, vector<16xi32>
      %reduce_min3A_405 = arith.constant true
      %reduce_min3A_406 = vector.broadcast %reduce_min3A_405 : i1 to vector<16xi1>
      %reduce_min3A_407 = arith.constant -2147483648 : i32
      %reduce_min3A_408 = vector.broadcast %reduce_min3A_407 : i32 to vector<16xi32>
      %reduce_min3A_409 = arith.xori %select_n3A_404, %reduce_min3A_408 : vector<16xi32>
      %reduce_min3A_410 = tpu.scan <min>, %reduce_min3A_409 masked %reduce_min3A_406 : vector<16xi32>, vector<16xi1> -> vector<16xi32>
      %reduce_min3A_411 = arith.xori %reduce_min3A_410, %reduce_min3A_408 : vector<16xi32>
      %reduce_min3A_412 = vector.extract %reduce_min3A_411[15] : i32 from vector<16xi32>
      %min3A_413 = arith.constant 15 : i32
      %min3A_414 = arith.minsi %reduce_min3A_412, %min3A_413 : i32
      %mul3A_415 = arith.constant 32 : i32
      %mul3A_416 = arith.muli %min3A_414, %mul3A_415 : i32
      %add3A_417 = arith.constant 2 : i32
      %add3A_418 = arith.addi %mul3A_416, %add3A_417 : i32
      %broadcast_in_dim3A_419 = vector.broadcast %add3A_418 : i32 to vector<16xi32>
      %gather3A_420 = tpu.vector_load_idx %arg14[%broadcast_in_dim3A_419] : memref<512xf32, #tpu.memory_space<vmem>>[vector<16xi32>], vector<16xf32>,
      %add3A_421 = arith.constant 3 : i32
      %add3A_422 = arith.addi %mul3A_416, %add3A_421 : i32
      %broadcast_in_dim3A_423 = vector.broadcast %add3A_422 : i32 to vector<16xi32>
      %gather3A_424 = tpu.vector_load_idx %arg14[%broadcast_in_dim3A_423] : memref<512xf32, #tpu.memory_space<vmem>>[vector<16xi32>], vector<16xf32>,
      %add3A_425 = arith.constant 4 : i32
      %add3A_426 = arith.addi %mul3A_416, %add3A_425 : i32
      %broadcast_in_dim3A_427 = vector.broadcast %add3A_426 : i32 to vector<16xi32>
      %gather3A_428 = tpu.vector_load_idx %arg14[%broadcast_in_dim3A_427] : memref<512xf32, #tpu.memory_space<vmem>>[vector<16xi32>], vector<16xf32>,
      %add3A_429 = arith.constant 5 : i32
      %add3A_430 = arith.addi %mul3A_416, %add3A_429 : i32
      %broadcast_in_dim3A_431 = vector.broadcast %add3A_430 : i32 to vector<16xi32>
      %gather3A_432 = tpu.vector_load_idx %arg14[%broadcast_in_dim3A_431] : memref<512xf32, #tpu.memory_space<vmem>>[vector<16xi32>], vector<16xf32>,
      %add3A_433 = arith.constant 6 : i32
      %add3A_434 = arith.addi %mul3A_416, %add3A_433 : i32
      %broadcast_in_dim3A_435 = vector.broadcast %add3A_434 : i32 to vector<16xi32>
      %gather3A_436 = tpu.vector_load_idx %arg14[%broadcast_in_dim3A_435] : memref<512xf32, #tpu.memory_space<vmem>>[vector<16xi32>], vector<16xf32>,
      %mul3A_437 = arith.constant 32 : i32
      %mul3A_438 = vector.broadcast %mul3A_437 : i32 to vector<16xi32>
      %mul3A_439 = arith.muli %iota3A, %mul3A_438 : vector<16xi32>
      %add3A_440 = arith.constant 2 : i32
      %add3A_441 = vector.broadcast %add3A_440 : i32 to vector<16xi32>
      %add3A_442 = arith.addi %mul3A_439, %add3A_441 : vector<16xi32>
      %gather3A_443 = tpu.vector_load_idx %arg14[%add3A_442] : memref<512xf32, #tpu.memory_space<vmem>>[vector<16xi32>], vector<16xf32>,
      %mul3A_444 = arith.constant 32 : i32
      %mul3A_445 = vector.broadcast %mul3A_444 : i32 to vector<16xi32>
      %mul3A_446 = arith.muli %iota3A, %mul3A_445 : vector<16xi32>
      %add3A_447 = arith.constant 3 : i32
      %add3A_448 = vector.broadcast %add3A_447 : i32 to vector<16xi32>
      %add3A_449 = arith.addi %mul3A_446, %add3A_448 : vector<16xi32>
      %gather3A_450 = tpu.vector_load_idx %arg14[%add3A_449] : memref<512xf32, #tpu.memory_space<vmem>>[vector<16xi32>], vector<16xf32>,
      %mul3A_451 = arith.constant 32 : i32
      %mul3A_452 = vector.broadcast %mul3A_451 : i32 to vector<16xi32>
      %mul3A_453 = arith.muli %iota3A, %mul3A_452 : vector<16xi32>
      %add3A_454 = arith.constant 4 : i32
      %add3A_455 = vector.broadcast %add3A_454 : i32 to vector<16xi32>
      %add3A_456 = arith.addi %mul3A_453, %add3A_455 : vector<16xi32>
      %gather3A_457 = tpu.vector_load_idx %arg14[%add3A_456] : memref<512xf32, #tpu.memory_space<vmem>>[vector<16xi32>], vector<16xf32>,
      %mul3A_458 = arith.constant 32 : i32
      %mul3A_459 = vector.broadcast %mul3A_458 : i32 to vector<16xi32>
      %mul3A_460 = arith.muli %iota3A, %mul3A_459 : vector<16xi32>
      %add3A_461 = arith.constant 5 : i32
      %add3A_462 = vector.broadcast %add3A_461 : i32 to vector<16xi32>
      %add3A_463 = arith.addi %mul3A_460, %add3A_462 : vector<16xi32>
      %gather3A_464 = tpu.vector_load_idx %arg14[%add3A_463] : memref<512xf32, #tpu.memory_space<vmem>>[vector<16xi32>], vector<16xf32>,
      %mul3A_465 = arith.constant 32 : i32
      %mul3A_466 = vector.broadcast %mul3A_465 : i32 to vector<16xi32>
      %mul3A_467 = arith.muli %iota3A, %mul3A_466 : vector<16xi32>
      %add3A_468 = arith.constant 6 : i32
      %add3A_469 = vector.broadcast %add3A_468 : i32 to vector<16xi32>
      %add3A_470 = arith.addi %mul3A_467, %add3A_469 : vector<16xi32>
      %gather3A_471 = tpu.vector_load_idx %arg14[%add3A_470] : memref<512xf32, #tpu.memory_space<vmem>>[vector<16xi32>], vector<16xf32>,
      %mul3A_472 = arith.constant 32 : i32
      %mul3A_473 = vector.broadcast %mul3A_472 : i32 to vector<16xi32>
      %mul3A_474 = arith.muli %iota3A, %mul3A_473 : vector<16xi32>
      %add3A_475 = arith.constant 16 : i32
      %add3A_476 = vector.broadcast %add3A_475 : i32 to vector<16xi32>
      %add3A_477 = arith.addi %mul3A_474, %add3A_476 : vector<16xi32>
      %gather3A_478 = tpu.vector_load_idx %arg14[%add3A_477] : memref<512xf32, #tpu.memory_space<vmem>>[vector<16xi32>], vector<16xf32>,
      %mul3A_479 = arith.constant 32 : i32
      %mul3A_480 = vector.broadcast %mul3A_479 : i32 to vector<16xi32>
      %mul3A_481 = arith.muli %iota3A, %mul3A_480 : vector<16xi32>
      %add3A_482 = arith.constant 17 : i32
      %add3A_483 = vector.broadcast %add3A_482 : i32 to vector<16xi32>
      %add3A_484 = arith.addi %mul3A_481, %add3A_483 : vector<16xi32>
      %gather3A_485 = tpu.vector_load_idx %arg14[%add3A_484] : memref<512xf32, #tpu.memory_space<vmem>>[vector<16xi32>], vector<16xf32>,
      %bitcast3A_486 = vector.bitcast %gather3A_485 : vector<16xf32> to vector<16xi32>
      %mul3A_487 = arith.constant 32 : i32
      %mul3A_488 = vector.broadcast %mul3A_487 : i32 to vector<16xi32>
      %mul3A_489 = arith.muli %iota3A, %mul3A_488 : vector<16xi32>
      %add3A_490 = arith.constant 18 : i32
      %add3A_491 = vector.broadcast %add3A_490 : i32 to vector<16xi32>
      %add3A_492 = arith.addi %mul3A_489, %add3A_491 : vector<16xi32>
      %gather3A_493 = tpu.vector_load_idx %arg14[%add3A_492] : memref<512xf32, #tpu.memory_space<vmem>>[vector<16xi32>], vector<16xf32>,
      %mul3A_494 = arith.constant 32 : i32
      %mul3A_495 = vector.broadcast %mul3A_494 : i32 to vector<16xi32>
      %mul3A_496 = arith.muli %iota3A, %mul3A_495 : vector<16xi32>
      %add3A_497 = arith.constant 19 : i32
      %add3A_498 = vector.broadcast %add3A_497 : i32 to vector<16xi32>
      %add3A_499 = arith.addi %mul3A_496, %add3A_498 : vector<16xi32>
      %gather3A_500 = tpu.vector_load_idx %arg14[%add3A_499] : memref<512xf32, #tpu.memory_space<vmem>>[vector<16xi32>], vector<16xf32>,
      %mul3A_501 = arith.constant 32 : i32
      %mul3A_502 = vector.broadcast %mul3A_501 : i32 to vector<16xi32>
      %mul3A_503 = arith.muli %iota3A, %mul3A_502 : vector<16xi32>
      %add3A_504 = arith.constant 20 : i32
      %add3A_505 = vector.broadcast %add3A_504 : i32 to vector<16xi32>
      %add3A_506 = arith.addi %mul3A_503, %add3A_505 : vector<16xi32>
      %gather3A_507 = tpu.vector_load_idx %arg14[%add3A_506] : memref<512xf32, #tpu.memory_space<vmem>>[vector<16xi32>], vector<16xf32>,
      %mul3A_508 = arith.constant 32 : i32
      %mul3A_509 = vector.broadcast %mul3A_508 : i32 to vector<16xi32>
      %mul3A_510 = arith.muli %iota3A, %mul3A_509 : vector<16xi32>
      %add3A_511 = arith.constant 21 : i32
      %add3A_512 = vector.broadcast %add3A_511 : i32 to vector<16xi32>
      %add3A_513 = arith.addi %mul3A_510, %add3A_512 : vector<16xi32>
      %gather3A_514 = tpu.vector_load_idx %arg14[%add3A_513] : memref<512xf32, #tpu.memory_space<vmem>>[vector<16xi32>], vector<16xf32>,
      %mul3A_515 = arith.constant 32 : i32
      %mul3A_516 = vector.broadcast %mul3A_515 : i32 to vector<16xi32>
      %mul3A_517 = arith.muli %iota3A, %mul3A_516 : vector<16xi32>
      %add3A_518 = arith.constant 22 : i32
      %add3A_519 = vector.broadcast %add3A_518 : i32 to vector<16xi32>
      %add3A_520 = arith.addi %mul3A_517, %add3A_519 : vector<16xi32>
      %gather3A_521 = tpu.vector_load_idx %arg14[%add3A_520] : memref<512xf32, #tpu.memory_space<vmem>>[vector<16xi32>], vector<16xf32>,
      %max3A_522 = arith.maximumf %gather3A_420, %gather3A_443 : vector<16xf32>
      %max3A_523 = arith.maximumf %gather3A_424, %gather3A_450 : vector<16xf32>
      %min3A_524 = arith.minimumf %gather3A_428, %gather3A_457 : vector<16xf32>
      %min3A_525 = arith.minimumf %gather3A_432, %gather3A_464 : vector<16xf32>
      %sub3A_526 = arith.subf %min3A_524, %max3A_522 : vector<16xf32>
      %max3A_527 = arith.constant 0.000000e+00 : f32
      %max3A_528 = vector.broadcast %max3A_527 : f32 to vector<16xf32>
      %max3A_529 = arith.maximumf %sub3A_526, %max3A_528 : vector<16xf32>
      %sub3A_530 = arith.subf %min3A_525, %max3A_523 : vector<16xf32>
      %max3A_531 = arith.constant 0.000000e+00 : f32
      %max3A_532 = vector.broadcast %max3A_531 : f32 to vector<16xf32>
      %max3A_533 = arith.maximumf %sub3A_530, %max3A_532 : vector<16xf32>
      %mul3A_534 = arith.mulf %max3A_529, %max3A_533 : vector<16xf32>
      %add3A_535 = arith.addf %gather3A_436, %gather3A_471 : vector<16xf32>
      %sub3A_536 = arith.subf %add3A_535, %mul3A_534 : vector<16xf32>
      %max3A_537 = arith.constant 9.99999997E-7 : f32
      %max3A_538 = vector.broadcast %max3A_537 : f32 to vector<16xf32>
      %max3A_539 = arith.maximumf %sub3A_536, %max3A_538 : vector<16xf32>
      %div3A_540 = arith.divf %mul3A_534, %max3A_539 : vector<16xf32>
      %max3A_541 = arith.maximumf %gather3A_420, %gather3A_493 : vector<16xf32>
      %max3A_542 = arith.maximumf %gather3A_424, %gather3A_500 : vector<16xf32>
      %min3A_543 = arith.minimumf %gather3A_428, %gather3A_507 : vector<16xf32>
      %min3A_544 = arith.minimumf %gather3A_432, %gather3A_514 : vector<16xf32>
      %sub3A_545 = arith.subf %min3A_543, %max3A_541 : vector<16xf32>
      %max3A_546 = arith.constant 0.000000e+00 : f32
      %max3A_547 = vector.broadcast %max3A_546 : f32 to vector<16xf32>
      %max3A_548 = arith.maximumf %sub3A_545, %max3A_547 : vector<16xf32>
      %sub3A_549 = arith.subf %min3A_544, %max3A_542 : vector<16xf32>
      %max3A_550 = arith.constant 0.000000e+00 : f32
      %max3A_551 = vector.broadcast %max3A_550 : f32 to vector<16xf32>
      %max3A_552 = arith.maximumf %sub3A_549, %max3A_551 : vector<16xf32>
      %mul3A_553 = arith.mulf %max3A_548, %max3A_552 : vector<16xf32>
      %add3A_554 = arith.addf %gather3A_436, %gather3A_521 : vector<16xf32>
      %sub3A_555 = arith.subf %add3A_554, %mul3A_553 : vector<16xf32>
      %max3A_556 = arith.constant 9.99999997E-7 : f32
      %max3A_557 = vector.broadcast %max3A_556 : f32 to vector<16xf32>
      %max3A_558 = arith.maximumf %sub3A_555, %max3A_557 : vector<16xf32>
      %div3A_559 = arith.divf %mul3A_553, %max3A_558 : vector<16xf32>
      %gt3A_560 = arith.constant 5.000000e-01 : f32
      %gt3A_561 = vector.broadcast %gt3A_560 : f32 to vector<16xf32>
      %gt3A_562 = arith.cmpf ogt, %div3A_540, %gt3A_561 : vector<16xf32>
      %eq3A_563 = vector.broadcast %reduce_min3A_398 : i32 to vector<16xi32>
      %eq3A_564 = arith.cmpi eq, %bitcast3A_379, %eq3A_563 : vector<16xi32>
      %or3A = arith.ori %gt3A_562, %eq3A_564 : vector<16xi1>
      %jit3A_565 = arith.constant 0xFF800000 : f32
      %broadcast_in_dim3A_566 = vector.broadcast %jit3A_565 : f32 to vector<16xf32>
      %select_n3A_567 = arith.select %or3A, %broadcast_in_dim3A_566, %gather3A_371 : vector<16xi1>, vector<16xf32>
      %gt3A_568 = arith.constant 5.000000e-01 : f32
      %gt3A_569 = vector.broadcast %gt3A_568 : f32 to vector<16xf32>
      %gt3A_570 = arith.cmpf ogt, %div3A_559, %gt3A_569 : vector<16xf32>
      %eq3A_571 = vector.broadcast %reduce_min3A_398 : i32 to vector<16xi32>
      %eq3A_572 = arith.cmpi eq, %bitcast3A_486, %eq3A_571 : vector<16xi32>
      %or3A_573 = arith.ori %gt3A_570, %eq3A_572 : vector<16xi1>
      %jit3A_574 = arith.constant 0xFF800000 : f32
      %broadcast_in_dim3A_575 = vector.broadcast %jit3A_574 : f32 to vector<16xf32>
      %select_n3A_576 = arith.select %or3A_573, %broadcast_in_dim3A_575, %gather3A_478 : vector<16xi1>, vector<16xf32>
      %eq3A_577 = arith.constant 0xFF800000 : f32
      %eq3A_578 = vector.broadcast %eq3A_577 : f32 to vector<16xf32>
      %eq3A_579 = arith.cmpf oeq, %select_n3A_567, %eq3A_578 : vector<16xf32>
      %eq3A_580 = arith.constant 0xFF800000 : f32
      %eq3A_581 = vector.broadcast %eq3A_580 : f32 to vector<16xf32>
      %eq3A_582 = arith.cmpf oeq, %select_n3A_576, %eq3A_581 : vector<16xf32>
      %and3A_583 = arith.andi %eq3A_579, %eq3A_582 : vector<16xi1>
      %gt3A_584 = arith.constant 0xFF800000 : f32
      %gt3A_585 = vector.broadcast %gt3A_584 : f32 to vector<16xf32>
      %gt3A_586 = arith.cmpf ogt, %gather3A_478, %gt3A_585 : vector<16xf32>
      %and3A_587 = arith.andi %and3A_583, %gt3A_586 : vector<16xi1>
      %jit3A_588 = arith.constant 1 : i32
      %jit3A_589 = arith.constant 0 : i32
      %broadcast_in_dim3A_590 = vector.broadcast %jit3A_588 : i32 to vector<16xi32>
      %broadcast_in_dim3A_591 = vector.broadcast %jit3A_589 : i32 to vector<16xi32>
      %select_n3A_592 = arith.select %and3A_587, %broadcast_in_dim3A_590, %broadcast_in_dim3A_591 : vector<16xi1>, vector<16xi32>
      %reduce_max3A_593 = arith.constant true
      %reduce_max3A_594 = vector.broadcast %reduce_max3A_593 : i1 to vector<16xi1>
      %reduce_max3A_595 = arith.constant -2147483648 : i32
      %reduce_max3A_596 = vector.broadcast %reduce_max3A_595 : i32 to vector<16xi32>
      %reduce_max3A_597 = arith.xori %select_n3A_592, %reduce_max3A_596 : vector<16xi32>
      %reduce_max3A_598 = tpu.scan <max>, %reduce_max3A_597 masked %reduce_max3A_594 : vector<16xi32>, vector<16xi1> -> vector<16xi32>
      %reduce_max3A_599 = arith.xori %reduce_max3A_598, %reduce_max3A_596 : vector<16xi32>
      %reduce_max3A_600 = vector.extract %reduce_max3A_599[15] : i32 from vector<16xi32>
      %max3A_601 = arith.maximumf %select_n3A_567, %select_n3A_576 : vector<16xf32>
      %reduce_max3A_602 = arith.constant true
      %reduce_max3A_603 = vector.broadcast %reduce_max3A_602 : i1 to vector<16xi1>
      %reduce_max3A_604 = tpu.scan <max>, %max3A_601 masked %reduce_max3A_603 : vector<16xf32>, vector<16xi1> -> vector<16xf32>
      %reduce_max3A_605 = vector.extract %reduce_max3A_604[15] : f32 from vector<16xf32>
      %gt3A_606 = arith.constant 0xFF800000 : f32
      %gt3A_607 = arith.cmpf ogt, %reduce_max3A_605, %gt3A_606 : f32
      %and3A_608 = arith.andi %gt3A_385, %gt3A_607 : i1
      %eq3A_609 = arith.constant 0 : i32
      %eq3A_610 = arith.cmpi eq, %reduce_max3A_600, %eq3A_609 : i32
      %add3A_611 = arith.constant 1 : i32
      %add3A_612 = arith.addi %while3A_209, %add3A_611 : i32
      %lt3A = arith.cmpi slt, %add3A_612, %min3A_193 : i32
      %and3A_613 = arith.andi %eq3A_610, %lt3A : i1
      %and3A_614 = arith.andi %and3A_608, %and3A_613 : i1
      %eq3A_615 = vector.broadcast %reduce_max3A_605 : f32 to vector<16xf32>
      %eq3A_616 = arith.cmpf oeq, %select_n3A_567, %eq3A_615 : vector<16xf32>
      %jit3A_617 = arith.constant 2147483647 : i32
      %broadcast_in_dim3A_618 = vector.broadcast %jit3A_617 : i32 to vector<16xi32>
      %select_n3A_619 = arith.select %eq3A_616, %bitcast3A_379, %broadcast_in_dim3A_618 : vector<16xi1>, vector<16xi32>
      %eq3A_620 = vector.broadcast %reduce_max3A_605 : f32 to vector<16xf32>
      %eq3A_621 = arith.cmpf oeq, %select_n3A_576, %eq3A_620 : vector<16xf32>
      %jit3A_622 = arith.constant 2147483647 : i32
      %broadcast_in_dim3A_623 = vector.broadcast %jit3A_622 : i32 to vector<16xi32>
      %select_n3A_624 = arith.select %eq3A_621, %bitcast3A_486, %broadcast_in_dim3A_623 : vector<16xi1>, vector<16xi32>
      %min3A_625 = arith.minsi %select_n3A_619, %select_n3A_624 : vector<16xi32>
      %reduce_min3A_626 = arith.constant true
      %reduce_min3A_627 = vector.broadcast %reduce_min3A_626 : i1 to vector<16xi1>
      %reduce_min3A_628 = arith.constant -2147483648 : i32
      %reduce_min3A_629 = vector.broadcast %reduce_min3A_628 : i32 to vector<16xi32>
      %reduce_min3A_630 = arith.xori %min3A_625, %reduce_min3A_629 : vector<16xi32>
      %reduce_min3A_631 = tpu.scan <min>, %reduce_min3A_630 masked %reduce_min3A_627 : vector<16xi32>, vector<16xi1> -> vector<16xi32>
      %reduce_min3A_632 = arith.xori %reduce_min3A_631, %reduce_min3A_629 : vector<16xi32>
      %reduce_min3A_633 = vector.extract %reduce_min3A_632[15] : i32 from vector<16xi32>
      %eq3A_634 = vector.broadcast %reduce_max3A_605 : f32 to vector<16xf32>
      %eq3A_635 = arith.cmpf oeq, %select_n3A_567, %eq3A_634 : vector<16xf32>
      %eq3A_636 = vector.broadcast %reduce_min3A_633 : i32 to vector<16xi32>
      %eq3A_637 = arith.cmpi eq, %bitcast3A_379, %eq3A_636 : vector<16xi32>
      %and3A_638 = arith.andi %eq3A_635, %eq3A_637 : vector<16xi1>
      %mul3A_639 = arith.constant 32 : i32
      %mul3A_640 = vector.broadcast %mul3A_639 : i32 to vector<16xi32>
      %mul3A_641 = arith.muli %iota3A, %mul3A_640 : vector<16xi32>
      %jit3A_642 = arith.constant 2147483647 : i32
      %broadcast_in_dim3A_643 = vector.broadcast %jit3A_642 : i32 to vector<16xi32>
      %select_n3A_644 = arith.select %and3A_638, %mul3A_641, %broadcast_in_dim3A_643 : vector<16xi1>, vector<16xi32>
      %eq3A_645 = vector.broadcast %reduce_max3A_605 : f32 to vector<16xf32>
      %eq3A_646 = arith.cmpf oeq, %select_n3A_576, %eq3A_645 : vector<16xf32>
      %eq3A_647 = vector.broadcast %reduce_min3A_633 : i32 to vector<16xi32>
      %eq3A_648 = arith.cmpi eq, %bitcast3A_486, %eq3A_647 : vector<16xi32>
      %and3A_649 = arith.andi %eq3A_646, %eq3A_648 : vector<16xi1>
      %mul3A_650 = arith.constant 32 : i32
      %mul3A_651 = vector.broadcast %mul3A_650 : i32 to vector<16xi32>
      %mul3A_652 = arith.muli %iota3A, %mul3A_651 : vector<16xi32>
      %add3A_653 = arith.constant 16 : i32
      %add3A_654 = vector.broadcast %add3A_653 : i32 to vector<16xi32>
      %add3A_655 = arith.addi %mul3A_652, %add3A_654 : vector<16xi32>
      %jit3A_656 = arith.constant 2147483647 : i32
      %broadcast_in_dim3A_657 = vector.broadcast %jit3A_656 : i32 to vector<16xi32>
      %select_n3A_658 = arith.select %and3A_649, %add3A_655, %broadcast_in_dim3A_657 : vector<16xi1>, vector<16xi32>
      %min3A_659 = arith.minsi %select_n3A_644, %select_n3A_658 : vector<16xi32>
      %reduce_min3A_660 = arith.constant true
      %reduce_min3A_661 = vector.broadcast %reduce_min3A_660 : i1 to vector<16xi1>
      %reduce_min3A_662 = arith.constant -2147483648 : i32
      %reduce_min3A_663 = vector.broadcast %reduce_min3A_662 : i32 to vector<16xi32>
      %reduce_min3A_664 = arith.xori %min3A_659, %reduce_min3A_663 : vector<16xi32>
      %reduce_min3A_665 = tpu.scan <min>, %reduce_min3A_664 masked %reduce_min3A_661 : vector<16xi32>, vector<16xi1> -> vector<16xi32>
      %reduce_min3A_666 = arith.xori %reduce_min3A_665, %reduce_min3A_663 : vector<16xi32>
      %reduce_min3A_667 = vector.extract %reduce_min3A_666[15] : i32 from vector<16xi32>
      %max3A_668 = arith.constant 0 : i32
      %max3A_669 = arith.maxsi %reduce_min3A_667, %max3A_668 : i32
      %min3A_670 = arith.constant 503 : i32
      %min3A_671 = arith.minsi %max3A_669, %min3A_670 : i32
      %add3A_672 = arith.constant 2 : i32
      %add3A_673 = arith.addi %min3A_671, %add3A_672 : i32
      %broadcast_in_dim3A_674 = vector.broadcast %add3A_673 : i32 to vector<16xi32>
      %gather3A_675 = tpu.vector_load_idx %arg14[%broadcast_in_dim3A_674] : memref<512xf32, #tpu.memory_space<vmem>>[vector<16xi32>], vector<16xf32>,
      %add3A_676 = arith.constant 3 : i32
      %add3A_677 = arith.addi %min3A_671, %add3A_676 : i32
      %broadcast_in_dim3A_678 = vector.broadcast %add3A_677 : i32 to vector<16xi32>
      %gather3A_679 = tpu.vector_load_idx %arg14[%broadcast_in_dim3A_678] : memref<512xf32, #tpu.memory_space<vmem>>[vector<16xi32>], vector<16xf32>,
      %add3A_680 = arith.constant 4 : i32
      %add3A_681 = arith.addi %min3A_671, %add3A_680 : i32
      %broadcast_in_dim3A_682 = vector.broadcast %add3A_681 : i32 to vector<16xi32>
      %gather3A_683 = tpu.vector_load_idx %arg14[%broadcast_in_dim3A_682] : memref<512xf32, #tpu.memory_space<vmem>>[vector<16xi32>], vector<16xf32>,
      %add3A_684 = arith.constant 5 : i32
      %add3A_685 = arith.addi %min3A_671, %add3A_684 : i32
      %broadcast_in_dim3A_686 = vector.broadcast %add3A_685 : i32 to vector<16xi32>
      %gather3A_687 = tpu.vector_load_idx %arg14[%broadcast_in_dim3A_686] : memref<512xf32, #tpu.memory_space<vmem>>[vector<16xi32>], vector<16xf32>,
      %add3A_688 = arith.constant 6 : i32
      %add3A_689 = arith.addi %min3A_671, %add3A_688 : i32
      %broadcast_in_dim3A_690 = vector.broadcast %add3A_689 : i32 to vector<16xi32>
      %gather3A_691 = tpu.vector_load_idx %arg14[%broadcast_in_dim3A_690] : memref<512xf32, #tpu.memory_space<vmem>>[vector<16xi32>], vector<16xf32>,
      %convert_element_type3A_692 = arith.extui %gt3A_385 : i1 to i32
      %cond3A_693 = arith.constant 0 : i32
      %cond3A_694 = arith.cmpi ne, %convert_element_type3A_692, %cond3A_693 : i32
      scf.if %cond3A_694 {
        %broadcast_in_dim3A_705 = vector.broadcast %reduce_min3A_398 : i32 to vector<16xi32>
        %mul3A_706 = arith.constant 16 : i32
        %mul3A_707 = arith.muli %while3A_209, %mul3A_706 : i32
        %swap3A_708 = arith.index_cast %mul3A_707 : i32 to index
        %swap3A_709 = tpu.vector_load %arg15[%swap3A_708] {strides = array<i32>} : memref<1792xi32, #tpu.memory_space<vmem>>, vector<16xi32>,
        tpu.vector_store %arg15[%swap3A_708], %broadcast_in_dim3A_705 {strides = array<i32>} : memref<1792xi32, #tpu.memory_space<vmem>>, vector<16xi32>,
        %broadcast_in_dim3A_710 = vector.broadcast %reduce_max3A_383 : f32 to vector<16xf32>
        %mul3A_711 = arith.constant 16 : i32
        %mul3A_712 = arith.muli %while3A_209, %mul3A_711 : i32
        %swap3A_713 = arith.index_cast %mul3A_712 : i32 to index
        %swap3A_714 = tpu.vector_load %arg16[%swap3A_713] {strides = array<i32>} : memref<1792xf32, #tpu.memory_space<vmem>>, vector<16xf32>,
        tpu.vector_store %arg16[%swap3A_713], %broadcast_in_dim3A_710 {strides = array<i32>} : memref<1792xf32, #tpu.memory_space<vmem>>, vector<16xf32>,
        %convert_element_type3A_715 = arith.extui %and3A_614 : i1 to i32
        %cond3A_716 = arith.constant 0 : i32
        %cond3A_717 = arith.cmpi ne, %convert_element_type3A_715, %cond3A_716 : i32
        scf.if %cond3A_717 {
          %broadcast_in_dim3A_730 = vector.broadcast %reduce_min3A_633 : i32 to vector<16xi32>
          %add3A_731 = arith.constant 1 : i32
          %add3A_732 = arith.addi %while3A_209, %add3A_731 : i32
          %mul3A_733 = arith.constant 16 : i32
          %mul3A_734 = arith.muli %add3A_732, %mul3A_733 : i32
          %swap3A_735 = arith.index_cast %mul3A_734 : i32 to index
          %swap3A_736 = tpu.vector_load %arg15[%swap3A_735] {strides = array<i32>} : memref<1792xi32, #tpu.memory_space<vmem>>, vector<16xi32>,
          tpu.vector_store %arg15[%swap3A_735], %broadcast_in_dim3A_730 {strides = array<i32>} : memref<1792xi32, #tpu.memory_space<vmem>>, vector<16xi32>,
          %broadcast_in_dim3A_737 = vector.broadcast %reduce_max3A_605 : f32 to vector<16xf32>
          %add3A_738 = arith.constant 1 : i32
          %add3A_739 = arith.addi %while3A_209, %add3A_738 : i32
          %mul3A_740 = arith.constant 16 : i32
          %mul3A_741 = arith.muli %add3A_739, %mul3A_740 : i32
          %swap3A_742 = arith.index_cast %mul3A_741 : i32 to index
          %swap3A_743 = tpu.vector_load %arg16[%swap3A_742] {strides = array<i32>} : memref<1792xf32, #tpu.memory_space<vmem>>, vector<16xf32>,
          tpu.vector_store %arg16[%swap3A_742], %broadcast_in_dim3A_737 {strides = array<i32>} : memref<1792xf32, #tpu.memory_space<vmem>>, vector<16xf32>,
        } else {
        }
        %while3A_718 = arith.constant 0 : i32
        %while3A_719 = arith.constant 0 : i32
        %while3A_720 = arith.subi %select_n3A_165, %while3A_718 : i32
        %while3A_721 = arith.addi %while3A_718, %while3A_720 : i32
        %while3A_722 = arith.constant 1 : i32
        %while3A_723 = arith.divsi %while3A_720, %while3A_722 : i32
        %while3A_724 = arith.muli %while3A_723, %while3A_722 : i32
        %while3A_725 = arith.addi %while3A_718, %while3A_724 : i32
        %while3A_726 = arith.constant 1 : i32
        %while3A_727 = scf.for %while3A_730 = %while3A_718 to %while3A_725 step %while3A_726 iter_args(%while3A_731 = %while3A_719) -> (i32)  : i32 {
          %mul3A_732 = arith.constant 16 : i32
          %mul3A_733 = arith.muli %while3A_730, %mul3A_732 : i32
          %add3A_734 = vector.broadcast %mul3A_733 : i32 to vector<16xi32>
          %add3A_735 = arith.addi %add3A_734, %iota3A : vector<16xi32>
          %mul3A_736 = arith.constant 8 : i32
          %mul3A_737 = vector.broadcast %mul3A_736 : i32 to vector<16xi32>
          %mul3A_738 = arith.muli %add3A_735, %mul3A_737 : vector<16xi32>
          %gather3A_739 = tpu.vector_load_idx %arg11[%mul3A_738] : memref<20480xf32, #tpu.memory_space<vmem>>[vector<16xi32>], vector<16xf32>,
          %bitcast3A_740 = vector.bitcast %gather3A_739 : vector<16xf32> to vector<16xi32>
          %add3A_741 = arith.constant 1 : i32
          %add3A_742 = vector.broadcast %add3A_741 : i32 to vector<16xi32>
          %add3A_743 = arith.addi %mul3A_738, %add3A_742 : vector<16xi32>
          %gather3A_744 = tpu.vector_load_idx %arg11[%add3A_743] : memref<20480xf32, #tpu.memory_space<vmem>>[vector<16xi32>], vector<16xf32>,
          %add3A_745 = arith.constant 2 : i32
          %add3A_746 = vector.broadcast %add3A_745 : i32 to vector<16xi32>
          %add3A_747 = arith.addi %mul3A_738, %add3A_746 : vector<16xi32>
          %gather3A_748 = tpu.vector_load_idx %arg11[%add3A_747] : memref<20480xf32, #tpu.memory_space<vmem>>[vector<16xi32>], vector<16xf32>,
          %add3A_749 = arith.constant 3 : i32
          %add3A_750 = vector.broadcast %add3A_749 : i32 to vector<16xi32>
          %add3A_751 = arith.addi %mul3A_738, %add3A_750 : vector<16xi32>
          %gather3A_752 = tpu.vector_load_idx %arg11[%add3A_751] : memref<20480xf32, #tpu.memory_space<vmem>>[vector<16xi32>], vector<16xf32>,
          %add3A_753 = arith.constant 4 : i32
          %add3A_754 = vector.broadcast %add3A_753 : i32 to vector<16xi32>
          %add3A_755 = arith.addi %mul3A_738, %add3A_754 : vector<16xi32>
          %gather3A_756 = tpu.vector_load_idx %arg11[%add3A_755] : memref<20480xf32, #tpu.memory_space<vmem>>[vector<16xi32>], vector<16xf32>,
          %add3A_757 = arith.constant 5 : i32
          %add3A_758 = vector.broadcast %add3A_757 : i32 to vector<16xi32>
          %add3A_759 = arith.addi %mul3A_738, %add3A_758 : vector<16xi32>
          %gather3A_760 = tpu.vector_load_idx %arg11[%add3A_759] : memref<20480xf32, #tpu.memory_space<vmem>>[vector<16xi32>], vector<16xf32>,
          %mul3A_761 = arith.constant 16 : i32
          %mul3A_762 = arith.muli %while3A_730, %mul3A_761 : i32
          %get3A_763 = arith.index_cast %mul3A_762 : i32 to index
          %get3A_764 = tpu.vector_load %arg10[%get3A_763] {strides = array<i32>} : memref<2560xf32, #tpu.memory_space<vmem>>, vector<16xf32>,
          %max3A_765 = arith.maximumf %gather3A_420, %gather3A_744 : vector<16xf32>
          %max3A_766 = arith.maximumf %gather3A_424, %gather3A_748 : vector<16xf32>
          %min3A_767 = arith.minimumf %gather3A_428, %gather3A_752 : vector<16xf32>
          %min3A_768 = arith.minimumf %gather3A_432, %gather3A_756 : vector<16xf32>
          %sub3A_769 = arith.subf %min3A_767, %max3A_765 : vector<16xf32>
          %max3A_770 = arith.constant 0.000000e+00 : f32
          %max3A_771 = vector.broadcast %max3A_770 : f32 to vector<16xf32>
          %max3A_772 = arith.maximumf %sub3A_769, %max3A_771 : vector<16xf32>
          %sub3A_773 = arith.subf %min3A_768, %max3A_766 : vector<16xf32>
          %max3A_774 = arith.constant 0.000000e+00 : f32
          %max3A_775 = vector.broadcast %max3A_774 : f32 to vector<16xf32>
          %max3A_776 = arith.maximumf %sub3A_773, %max3A_775 : vector<16xf32>
          %mul3A_777 = arith.mulf %max3A_772, %max3A_776 : vector<16xf32>
          %add3A_778 = arith.addf %gather3A_436, %gather3A_760 : vector<16xf32>
          %sub3A_779 = arith.subf %add3A_778, %mul3A_777 : vector<16xf32>
          %max3A_780 = arith.constant 9.99999997E-7 : f32
          %max3A_781 = vector.broadcast %max3A_780 : f32 to vector<16xf32>
          %max3A_782 = arith.maximumf %sub3A_779, %max3A_781 : vector<16xf32>
          %div3A_783 = arith.divf %mul3A_777, %max3A_782 : vector<16xf32>
          %gt3A_784 = arith.constant 5.000000e-01 : f32
          %gt3A_785 = vector.broadcast %gt3A_784 : f32 to vector<16xf32>
          %gt3A_786 = arith.cmpf ogt, %div3A_783, %gt3A_785 : vector<16xf32>
          %eq3A_787 = vector.broadcast %reduce_min3A_398 : i32 to vector<16xi32>
          %eq3A_788 = arith.cmpi eq, %bitcast3A_740, %eq3A_787 : vector<16xi32>
          %or3A_789 = arith.ori %gt3A_786, %eq3A_788 : vector<16xi1>
          %max3A_790 = arith.maximumf %gather3A_675, %gather3A_744 : vector<16xf32>
          %max3A_791 = arith.maximumf %gather3A_679, %gather3A_748 : vector<16xf32>
          %min3A_792 = arith.minimumf %gather3A_683, %gather3A_752 : vector<16xf32>
          %min3A_793 = arith.minimumf %gather3A_687, %gather3A_756 : vector<16xf32>
          %sub3A_794 = arith.subf %min3A_792, %max3A_790 : vector<16xf32>
          %max3A_795 = arith.constant 0.000000e+00 : f32
          %max3A_796 = vector.broadcast %max3A_795 : f32 to vector<16xf32>
          %max3A_797 = arith.maximumf %sub3A_794, %max3A_796 : vector<16xf32>
          %sub3A_798 = arith.subf %min3A_793, %max3A_791 : vector<16xf32>
          %max3A_799 = arith.constant 0.000000e+00 : f32
          %max3A_800 = vector.broadcast %max3A_799 : f32 to vector<16xf32>
          %max3A_801 = arith.maximumf %sub3A_798, %max3A_800 : vector<16xf32>
          %mul3A_802 = arith.mulf %max3A_797, %max3A_801 : vector<16xf32>
          %add3A_803 = arith.addf %gather3A_691, %gather3A_760 : vector<16xf32>
          %sub3A_804 = arith.subf %add3A_803, %mul3A_802 : vector<16xf32>
          %max3A_805 = arith.constant 9.99999997E-7 : f32
          %max3A_806 = vector.broadcast %max3A_805 : f32 to vector<16xf32>
          %max3A_807 = arith.maximumf %sub3A_804, %max3A_806 : vector<16xf32>
          %div3A_808 = arith.divf %mul3A_802, %max3A_807 : vector<16xf32>
          %gt3A_809 = arith.constant 5.000000e-01 : f32
          %gt3A_810 = vector.broadcast %gt3A_809 : f32 to vector<16xf32>
          %gt3A_811 = arith.cmpf ogt, %div3A_808, %gt3A_810 : vector<16xf32>
          %eq3A_812 = vector.broadcast %reduce_min3A_633 : i32 to vector<16xi32>
          %eq3A_813 = arith.cmpi eq, %bitcast3A_740, %eq3A_812 : vector<16xi32>
          %or3A_814 = arith.ori %gt3A_811, %eq3A_813 : vector<16xi1>
          %and3A_815 = vector.broadcast %and3A_614 : i1 to vector<16xi1>
          %and3A_816 = arith.andi %and3A_815, %or3A_814 : vector<16xi1>
          %or3A_817 = arith.ori %or3A_789, %and3A_816 : vector<16xi1>
          %jit3A_818 = arith.constant 0xFF800000 : f32
          %broadcast_in_dim3A_819 = vector.broadcast %jit3A_818 : f32 to vector<16xf32>
          %select_n3A_820 = arith.select %or3A_817, %broadcast_in_dim3A_819, %get3A_764 : vector<16xi1>, vector<16xf32>
          %mul3A_821 = arith.constant 16 : i32
          %mul3A_822 = arith.muli %while3A_730, %mul3A_821 : i32
          %swap3A_823 = arith.index_cast %mul3A_822 : i32 to index
          %swap3A_824 = tpu.vector_load %arg10[%swap3A_823] {strides = array<i32>} : memref<2560xf32, #tpu.memory_space<vmem>>, vector<16xf32>,
          tpu.vector_store %arg10[%swap3A_823], %select_n3A_820 {strides = array<i32>} : memref<2560xf32, #tpu.memory_space<vmem>>, vector<16xf32>,
          %while3A_825 = arith.constant 0 : i32
          scf.yield %while3A_825 : i32
        }
        %while3A_728 = arith.constant 1 : i32
        %while3A_729 = scf.for %while3A_730 = %while3A_725 to %while3A_721 step %while3A_728 iter_args(%while3A_731 = %while3A_727) -> (i32)  : i32 {
          %mul3A_732 = arith.constant 16 : i32
          %mul3A_733 = arith.muli %while3A_730, %mul3A_732 : i32
          %add3A_734 = vector.broadcast %mul3A_733 : i32 to vector<16xi32>
          %add3A_735 = arith.addi %add3A_734, %iota3A : vector<16xi32>
          %mul3A_736 = arith.constant 8 : i32
          %mul3A_737 = vector.broadcast %mul3A_736 : i32 to vector<16xi32>
          %mul3A_738 = arith.muli %add3A_735, %mul3A_737 : vector<16xi32>
          %gather3A_739 = tpu.vector_load_idx %arg11[%mul3A_738] : memref<20480xf32, #tpu.memory_space<vmem>>[vector<16xi32>], vector<16xf32>,
          %bitcast3A_740 = vector.bitcast %gather3A_739 : vector<16xf32> to vector<16xi32>
          %add3A_741 = arith.constant 1 : i32
          %add3A_742 = vector.broadcast %add3A_741 : i32 to vector<16xi32>
          %add3A_743 = arith.addi %mul3A_738, %add3A_742 : vector<16xi32>
          %gather3A_744 = tpu.vector_load_idx %arg11[%add3A_743] : memref<20480xf32, #tpu.memory_space<vmem>>[vector<16xi32>], vector<16xf32>,
          %add3A_745 = arith.constant 2 : i32
          %add3A_746 = vector.broadcast %add3A_745 : i32 to vector<16xi32>
          %add3A_747 = arith.addi %mul3A_738, %add3A_746 : vector<16xi32>
          %gather3A_748 = tpu.vector_load_idx %arg11[%add3A_747] : memref<20480xf32, #tpu.memory_space<vmem>>[vector<16xi32>], vector<16xf32>,
          %add3A_749 = arith.constant 3 : i32
          %add3A_750 = vector.broadcast %add3A_749 : i32 to vector<16xi32>
          %add3A_751 = arith.addi %mul3A_738, %add3A_750 : vector<16xi32>
          %gather3A_752 = tpu.vector_load_idx %arg11[%add3A_751] : memref<20480xf32, #tpu.memory_space<vmem>>[vector<16xi32>], vector<16xf32>,
          %add3A_753 = arith.constant 4 : i32
          %add3A_754 = vector.broadcast %add3A_753 : i32 to vector<16xi32>
          %add3A_755 = arith.addi %mul3A_738, %add3A_754 : vector<16xi32>
          %gather3A_756 = tpu.vector_load_idx %arg11[%add3A_755] : memref<20480xf32, #tpu.memory_space<vmem>>[vector<16xi32>], vector<16xf32>,
          %add3A_757 = arith.constant 5 : i32
          %add3A_758 = vector.broadcast %add3A_757 : i32 to vector<16xi32>
          %add3A_759 = arith.addi %mul3A_738, %add3A_758 : vector<16xi32>
          %gather3A_760 = tpu.vector_load_idx %arg11[%add3A_759] : memref<20480xf32, #tpu.memory_space<vmem>>[vector<16xi32>], vector<16xf32>,
          %mul3A_761 = arith.constant 16 : i32
          %mul3A_762 = arith.muli %while3A_730, %mul3A_761 : i32
          %get3A_763 = arith.index_cast %mul3A_762 : i32 to index
          %get3A_764 = tpu.vector_load %arg10[%get3A_763] {strides = array<i32>} : memref<2560xf32, #tpu.memory_space<vmem>>, vector<16xf32>,
          %max3A_765 = arith.maximumf %gather3A_420, %gather3A_744 : vector<16xf32>
          %max3A_766 = arith.maximumf %gather3A_424, %gather3A_748 : vector<16xf32>
          %min3A_767 = arith.minimumf %gather3A_428, %gather3A_752 : vector<16xf32>
          %min3A_768 = arith.minimumf %gather3A_432, %gather3A_756 : vector<16xf32>
          %sub3A_769 = arith.subf %min3A_767, %max3A_765 : vector<16xf32>
          %max3A_770 = arith.constant 0.000000e+00 : f32
          %max3A_771 = vector.broadcast %max3A_770 : f32 to vector<16xf32>
          %max3A_772 = arith.maximumf %sub3A_769, %max3A_771 : vector<16xf32>
          %sub3A_773 = arith.subf %min3A_768, %max3A_766 : vector<16xf32>
          %max3A_774 = arith.constant 0.000000e+00 : f32
          %max3A_775 = vector.broadcast %max3A_774 : f32 to vector<16xf32>
          %max3A_776 = arith.maximumf %sub3A_773, %max3A_775 : vector<16xf32>
          %mul3A_777 = arith.mulf %max3A_772, %max3A_776 : vector<16xf32>
          %add3A_778 = arith.addf %gather3A_436, %gather3A_760 : vector<16xf32>
          %sub3A_779 = arith.subf %add3A_778, %mul3A_777 : vector<16xf32>
          %max3A_780 = arith.constant 9.99999997E-7 : f32
          %max3A_781 = vector.broadcast %max3A_780 : f32 to vector<16xf32>
          %max3A_782 = arith.maximumf %sub3A_779, %max3A_781 : vector<16xf32>
          %div3A_783 = arith.divf %mul3A_777, %max3A_782 : vector<16xf32>
          %gt3A_784 = arith.constant 5.000000e-01 : f32
          %gt3A_785 = vector.broadcast %gt3A_784 : f32 to vector<16xf32>
          %gt3A_786 = arith.cmpf ogt, %div3A_783, %gt3A_785 : vector<16xf32>
          %eq3A_787 = vector.broadcast %reduce_min3A_398 : i32 to vector<16xi32>
          %eq3A_788 = arith.cmpi eq, %bitcast3A_740, %eq3A_787 : vector<16xi32>
          %or3A_789 = arith.ori %gt3A_786, %eq3A_788 : vector<16xi1>
          %max3A_790 = arith.maximumf %gather3A_675, %gather3A_744 : vector<16xf32>
          %max3A_791 = arith.maximumf %gather3A_679, %gather3A_748 : vector<16xf32>
          %min3A_792 = arith.minimumf %gather3A_683, %gather3A_752 : vector<16xf32>
          %min3A_793 = arith.minimumf %gather3A_687, %gather3A_756 : vector<16xf32>
          %sub3A_794 = arith.subf %min3A_792, %max3A_790 : vector<16xf32>
          %max3A_795 = arith.constant 0.000000e+00 : f32
          %max3A_796 = vector.broadcast %max3A_795 : f32 to vector<16xf32>
          %max3A_797 = arith.maximumf %sub3A_794, %max3A_796 : vector<16xf32>
          %sub3A_798 = arith.subf %min3A_793, %max3A_791 : vector<16xf32>
          %max3A_799 = arith.constant 0.000000e+00 : f32
          %max3A_800 = vector.broadcast %max3A_799 : f32 to vector<16xf32>
          %max3A_801 = arith.maximumf %sub3A_798, %max3A_800 : vector<16xf32>
          %mul3A_802 = arith.mulf %max3A_797, %max3A_801 : vector<16xf32>
          %add3A_803 = arith.addf %gather3A_691, %gather3A_760 : vector<16xf32>
          %sub3A_804 = arith.subf %add3A_803, %mul3A_802 : vector<16xf32>
          %max3A_805 = arith.constant 9.99999997E-7 : f32
          %max3A_806 = vector.broadcast %max3A_805 : f32 to vector<16xf32>
          %max3A_807 = arith.maximumf %sub3A_804, %max3A_806 : vector<16xf32>
          %div3A_808 = arith.divf %mul3A_802, %max3A_807 : vector<16xf32>
          %gt3A_809 = arith.constant 5.000000e-01 : f32
          %gt3A_810 = vector.broadcast %gt3A_809 : f32 to vector<16xf32>
          %gt3A_811 = arith.cmpf ogt, %div3A_808, %gt3A_810 : vector<16xf32>
          %eq3A_812 = vector.broadcast %reduce_min3A_633 : i32 to vector<16xi32>
          %eq3A_813 = arith.cmpi eq, %bitcast3A_740, %eq3A_812 : vector<16xi32>
          %or3A_814 = arith.ori %gt3A_811, %eq3A_813 : vector<16xi1>
          %and3A_815 = vector.broadcast %and3A_614 : i1 to vector<16xi1>
          %and3A_816 = arith.andi %and3A_815, %or3A_814 : vector<16xi1>
          %or3A_817 = arith.ori %or3A_789, %and3A_816 : vector<16xi1>
          %jit3A_818 = arith.constant 0xFF800000 : f32
          %broadcast_in_dim3A_819 = vector.broadcast %jit3A_818 : f32 to vector<16xf32>
          %select_n3A_820 = arith.select %or3A_817, %broadcast_in_dim3A_819, %get3A_764 : vector<16xi1>, vector<16xf32>
          %mul3A_821 = arith.constant 16 : i32
          %mul3A_822 = arith.muli %while3A_730, %mul3A_821 : i32
          %swap3A_823 = arith.index_cast %mul3A_822 : i32 to index
          %swap3A_824 = tpu.vector_load %arg10[%swap3A_823] {strides = array<i32>} : memref<2560xf32, #tpu.memory_space<vmem>>, vector<16xf32>,
          tpu.vector_store %arg10[%swap3A_823], %select_n3A_820 {strides = array<i32>} : memref<2560xf32, #tpu.memory_space<vmem>>, vector<16xf32>,
          %while3A_825 = arith.constant 0 : i32
          scf.yield %while3A_825 : i32
        }
      } else {
      }
      %add3A_695 = arith.constant 1 : i32
      %add3A_696 = arith.addi %while3A_209, %add3A_695 : i32
      %and3A_697 = arith.andi %gt3A_385, %and3A_614 : i1
      %jit3A_698 = arith.constant 1 : i32
      %jit3A_699 = arith.constant 0 : i32
      %select_n3A_700 = arith.select %and3A_697, %jit3A_698, %jit3A_699 : i32
      %add3A_701 = arith.addi %add3A_696, %select_n3A_700 : i32
      %add3A_702 = arith.constant 1 : i32
      %add3A_703 = arith.addi %while3A_210, %add3A_702 : i32
      %convert_element_type3A_704 = arith.extui %gt3A_385 : i1 to i32
      scf.yield %add3A_701, %add3A_703, %convert_element_type3A_704 : i32, i32, i32
    }
    %eq3A_206 = arith.constant 0 : i32
    %eq3A_207 = arith.cmpi eq, %arg1, %eq3A_206 : i32
    %convert_element_type3A = arith.extui %eq3A_207 : i1 to i32
    %cond3A = arith.constant 0 : i32
    %cond3A_208 = arith.cmpi ne, %convert_element_type3A, %cond3A : i32
    scf.if %cond3A_208 {
      %scan3A_209 = arith.constant 0 : i32
      %scan3A_210 = arith.constant 0 : i32
      %scan3A_211 = arith.constant 7 : i32
      %scan3A_212 = arith.addi %scan3A_210, %scan3A_211 : i32
      %scan3A_213 = arith.constant 1 : i32
      %scan3A_214 = scf.for %scan3A_227 = %scan3A_210 to %scan3A_212 step %scan3A_213 iter_args(%scan3A_228 = %scan3A_209) -> (i32)  : i32 {
        %mul3A_229 = arith.constant 16 : i32
        %mul3A_230 = arith.muli %scan3A_227, %mul3A_229 : i32
        %add3A_231 = vector.broadcast %mul3A_230 : i32 to vector<16xi32>
        %add3A_232 = arith.addi %add3A_231, %iota3A : vector<16xi32>
        %mul3A_233 = arith.constant 16 : i32
        %mul3A_234 = vector.broadcast %mul3A_233 : i32 to vector<16xi32>
        %mul3A_235 = arith.muli %add3A_232, %mul3A_234 : vector<16xi32>
        %gather3A_236 = tpu.vector_load_idx %arg15[%mul3A_235] : memref<1792xi32, #tpu.memory_space<vmem>>[vector<16xi32>], vector<16xi32>,
        %shift_right_arithmetic3A = arith.constant 3 : i32
        %shift_right_arithmetic3A_237 = vector.broadcast %shift_right_arithmetic3A : i32 to vector<16xi32>
        %shift_right_arithmetic3A_238 = arith.shrsi %gather3A_236, %shift_right_arithmetic3A_237 : vector<16xi32>
        %mul3A_239 = arith.constant 16 : i32
        %mul3A_240 = arith.muli %scan3A_227, %mul3A_239 : i32
        %swap3A_241 = arith.index_cast %mul3A_240 : i32 to index
        %swap3A_242 = tpu.vector_load %arg17[%swap3A_241] {strides = array<i32>} : memref<112xi32, #tpu.memory_space<vmem>>, vector<16xi32>,
        tpu.vector_store %arg17[%swap3A_241], %shift_right_arithmetic3A_238 {strides = array<i32>} : memref<112xi32, #tpu.memory_space<vmem>>, vector<16xi32>,
        %scan3A_243 = arith.constant 0 : i32
        scf.yield %scan3A_243 : i32
      }
      %scan3A_215 = arith.constant 7 : i32
      %dma_start3A = arith.constant 0 : i32
      %dma_start3A_216 = arith.constant 0 : i32
      %dma_start3A_217 = tpu.memref_slice %arg4[%dma_start3A, %dma_start3A_216] : memref<5000x16xf32, #tpu.memory_space<hbm>> -> memref<5000x16xf32, #tpu.memory_space<hbm>>
      tpu.enqueue_indirect_dma source(%dma_start3A_217 : memref<5000x16xf32, #tpu.memory_space<hbm>>) target(%arg18 : memref<112x16xf32, #tpu.memory_space<vmem>>) offsets(%arg17 : memref<112xi32, #tpu.memory_space<vmem>>) semaphore(%arg23 : memref<!tpu.dma_semaphore, #tpu.memory_space<semaphore_mem>>)
      %dma_wait3A = arith.constant 0 : i32
      %dma_wait3A_218 = arith.constant 0 : i32
      %dma_wait3A_219 = tpu.memref_slice %arg4[%dma_wait3A, %dma_wait3A_218] : memref<5000x16xf32, #tpu.memory_space<hbm>> -> memref<5000x16xf32, #tpu.memory_space<hbm>>
      tpu.wait_indirect_dma semaphore(%arg23 : memref<!tpu.dma_semaphore, #tpu.memory_space<semaphore_mem>>) src(%dma_wait3A_219 : memref<5000x16xf32, #tpu.memory_space<hbm>>) dst(%arg18 : memref<112x16xf32, #tpu.memory_space<vmem>>)
      %scan3A_220 = arith.constant 0 : i32
      %scan3A_221 = arith.constant 0 : i32
      %scan3A_222 = arith.constant 112 : i32
      %scan3A_223 = arith.addi %scan3A_221, %scan3A_222 : i32
      %scan3A_224 = arith.constant 1 : i32
      %scan3A_225 = scf.for %scan3A_227 = %scan3A_221 to %scan3A_223 step %scan3A_224 iter_args(%scan3A_228 = %scan3A_220) -> (i32)  : i32 {
        %mul3A_229 = arith.constant 16 : i32
        %mul3A_230 = arith.muli %scan3A_227, %mul3A_229 : i32
        %get3A_231 = arith.index_cast %mul3A_230 : i32 to index
        %get3A_232 = tpu.vector_load %arg15[%get3A_231] {strides = array<i32>} : memref<1792xi32, #tpu.memory_space<vmem>>, vector<16xi32>,
        %mul3A_233 = arith.constant 16 : i32
        %mul3A_234 = arith.muli %scan3A_227, %mul3A_233 : i32
        %get3A_235 = arith.index_cast %mul3A_234 : i32 to index
        %get3A_236 = tpu.vector_load %arg16[%get3A_235] {strides = array<i32>} : memref<1792xf32, #tpu.memory_space<vmem>>, vector<16xf32>,
        %and3A_237 = arith.constant 7 : i32
        %and3A_238 = vector.broadcast %and3A_237 : i32 to vector<16xi32>
        %and3A_239 = arith.andi %get3A_232, %and3A_238 : vector<16xi32>
        %convert_element_type3A_240 = arith.sitofp %and3A_239 : vector<16xi32> to vector<16xf32>
        %eq3A_241 = arith.constant 4 : i32
        %eq3A_242 = vector.broadcast %eq3A_241 : i32 to vector<16xi32>
        %eq3A_243 = arith.cmpi eq, %iota3A, %eq3A_242 : vector<16xi32>
        %eq3A_244 = arith.constant 5 : i32
        %eq3A_245 = vector.broadcast %eq3A_244 : i32 to vector<16xi32>
        %eq3A_246 = arith.cmpi eq, %iota3A, %eq3A_245 : vector<16xi32>
        %broadcast_in_dim3A_247 = arith.constant 0.000000e+00 : f32
        %broadcast_in_dim3A_248 = vector.broadcast %broadcast_in_dim3A_247 : f32 to vector<16xf32>
        %select_n3A_249 = arith.select %eq3A_246, %convert_element_type3A_240, %broadcast_in_dim3A_248 : vector<16xi1>, vector<16xf32>
        %select_n3A_250 = arith.select %eq3A_243, %get3A_236, %select_n3A_249 : vector<16xi1>, vector<16xf32>
        %mul3A_251 = arith.constant 16 : i32
        %mul3A_252 = arith.muli %scan3A_227, %mul3A_251 : i32
        %swap3A_253 = arith.index_cast %mul3A_252 : i32 to index
        %swap3A_254 = tpu.vector_load %arg19[%swap3A_253] {strides = array<i32>} : memref<1792xf32, #tpu.memory_space<vmem>>, vector<16xf32>,
        tpu.vector_store %arg19[%swap3A_253], %select_n3A_250 {strides = array<i32>} : memref<1792xf32, #tpu.memory_space<vmem>>, vector<16xf32>,
        %scan3A_255 = arith.constant 0 : i32
        scf.yield %scan3A_255 : i32
      }
      %scan3A_226 = arith.constant 112 : i32
      "tpu.region"() ({
        %run_scoped3A = tpu.sem_alloc : memref<!tpu.dma_semaphore, #tpu.memory_space<semaphore_mem>>
        tpu.enqueue_dma source(%arg19 : memref<1792xf32, #tpu.memory_space<vmem>>) target(%arg6 : memref<1792xf32, #tpu.memory_space<hbm>>) target_semaphore(%run_scoped3A : memref<!tpu.dma_semaphore, #tpu.memory_space<semaphore_mem>>)
        tpu.wait_dma2 semaphore(%run_scoped3A : memref<!tpu.dma_semaphore, #tpu.memory_space<semaphore_mem>>) src(%arg19 : memref<1792xf32, #tpu.memory_space<vmem>>) dst(%arg6 : memref<1792xf32, #tpu.memory_space<hbm>>)
        tpu.yield
      }) : () -> ()
      "tpu.region"() ({
        %run_scoped3A = tpu.sem_alloc : memref<!tpu.dma_semaphore, #tpu.memory_space<semaphore_mem>>
        tpu.enqueue_dma source(%arg18 : memref<112x16xf32, #tpu.memory_space<vmem>>) target(%arg7 : memref<112x16xf32, #tpu.memory_space<hbm>>) target_semaphore(%run_scoped3A : memref<!tpu.dma_semaphore, #tpu.memory_space<semaphore_mem>>)
        tpu.wait_dma2 semaphore(%run_scoped3A : memref<!tpu.dma_semaphore, #tpu.memory_space<semaphore_mem>>) src(%arg18 : memref<112x16xf32, #tpu.memory_space<vmem>>) dst(%arg7 : memref<112x16xf32, #tpu.memory_space<hbm>>)
        tpu.yield
      }) : () -> ()
    } else {
    }
    return
  }
}

</mosaic_0001>

<sc_bundles>
// kernel: kernel.3.cloned.1.call-start
scs
__scs_entry_jumppad:
0x0: {  	(pc) =	sbr.rel $0x88, $3  }
0x1: {  	(tag) =	ssettag $0x0;
	lr =	simm.s32 $0x1  }
0x2: {  	[smem:$0x3F9A] =	sst lr;
	_ =	strace $0xD0000000  }
0x3: {  	_ = 	snop  }
0x4: {  	_ = 	snop  }
0x5: {  	_ = 	snop  }
0x6: {  	_ = 	snop  }
0x7: {  	_ = 	snop  }
__scs_overlays_trampoline_lowered:
0x8: {  	[smem:$0x3FA9] =	sst s0  }
0x9: {  	[smem:$0x3FAA] =	sst s1  }
0xa: {  	[smem:$0x3FAB] =	sst s2  }
0xb: {  	[smem:$0x3FAC] =	sst s3  }
0xc: {  	[smem:$0x3FAD] =	sst s4  }
0xd: {  	[smem:$0x3FAE] =	sst s5  }
0xe: {  	[smem:$0x3FAF] =	sst s6  }
0xf: {  	[smem:$0x3FB0] =	sst s7  }
0x10: {  	[smem:$0x3FB1] =	sst s8  }
0x11: {  	[smem:$0x3FB2] =	sst s9;
	s0 =	simm.s32 @!p0 $0x0  }
0x12: {  	s1 =	sld [smem:$0x3F98];
	s0 =	simm.s32 @p0 $0x1  }
0x13: {  	[smem:$0x3FB3] =	sst s0;
	s0 =	simm.s32 @!p1 $0x0  }
0x14: {  	s2 =	sld [smem:$0x3F97];
	s0 =	simm.s32 @p1 $0x1  }
0x15: {  	[smem:$0x3FB4] =	sst s0;
	s0 =	simm.s32 @!p2 $0x0  }
0x16: {  	s3 =	sld [smem:$0x3FDB];
	s0 =	simm.s32 @p2 $0x1  }
0x17: {  	s4 =	simm.s32 $0x1BF5;
	[smem:$0x3FB6] =	sst s0  }
0x18: {  	s0 =	sld [smem:$0x3F99];
	_ =	swait.ge [sflag:s4], $0x0  }
0x19: {  	s7 =	sld [smem:$0x3F9A]  }
0x1a: {  	s8 =	sadd.s32 $0xFFFFE003, lr  }
0x1b: {  	s9 =	sadd.s32 $0xFFFFFEF7, lr;
	s5 =	simm.s32 $0xFFFFFFFF;
	p2 =	slt.u32 s8, $0xFFFFF086  }
0x1c: {  	p1 =	slt.u32 s9, $0xF7A;
	s5 =	simm.s32 @!p2 $0x0  }
0x1d: {  	s5 =	simm.s32 @p1 $0x1;
	p0 =	seq.s32 s7, s2  }
0x1e: {  	s7 =	smul.u32 @!p0 $0xF7A, s2;
	p2 =	seq.s32 @!p0 s5, $0x0  }
0x1f: {  	s9 =	smul.u32 $0xF7A, s1;
	s8 =	simm.s32 @!p0 $0x1BF5;
	p2 =	por !p2, p0  }
0x20: {  	[sflag:s8] =	ssyncset.s32 @!p0 $0xFFFFF086;
	s6 =	sadd.s32 @!p0 s3, s7;
	s7 =	simm.s32 @!p0 $0x108  }
0x21: {  	s3 =	sadd.s32 s3, s9;
	s6 =	sadd.s32 @!p0 $0x88, s6;
	s7 =	simm.s32 @p2 $0x1082  }
0x22: {  	[simem:s7], [sflag:s8] =	dma.local @!p0 [hbm:s6], $0xF7A  }
0x23: {  	s9 =	sor.u32 $0xD0000000, s2;
	s6 =	simm.s32 $0x108;
	_ =	swait.ge @!p0 [sflag:s8], $0x0  }
0x24: {  	s3 =	sadd.s32 $0x88, s3;
	s6 =	simm.s32 @!p1 $0x1082;
	[sflag:s4] =	ssyncset.s32 $0xFFFFF086  }
0x25: {  	[simem:s6], [sflag:s4] =	dma.local [hbm:s3], $0xF7A  }
0x26: {  	[smem:$0x3F9A] =	sst s1;
	(tag) =	ssettag s2;
	_ =	strace s9  }
0x27: {  	s1 =	sld [smem:$0x3FAA]  }
0x28: {  	s2 =	sld [smem:$0x3FAB]  }
0x29: {  	s4 =	sld [smem:$0x3FAD]  }
0x2a: {  	p0 =	seq.s32 s5, $0x0;
	s5 =	sld [smem:$0x3FAE]  }
0x2b: {  	s6 =	sld [smem:$0x3FAF]  }
0x2c: {  	s7 =	sld [smem:$0x3FB0]  }
0x2d: {  	s3 =	simm.s32 $0x108;
	s8 =	sld [smem:$0x3FB1]  }
0x2e: {  	s3 =	simm.s32 @!p0 $0x1082;
	s9 =	sld [smem:$0x3FB2]  }
0x2f: {  	lr =	sadd.s32 s0, s3;
	s0 =	sld [smem:$0x3FA9]  }
0x30: {  	s3 =	sld [smem:$0x3FAC]  }
0x31: {  	[smem:$0x3FB5] =	sst s10  }
0x32: {  	s10 =	sld [smem:$0x3FB3];
	_ =	sdelay $0x3  }
0x33: {  	p0 =	seq.s32 s10, $0x1;
	s10 =	sld [smem:$0x3FB5];
	_ =	sdelay $0x3  }
0x34: {  	[smem:$0x3FB5] =	sst s10  }
0x35: {  	s10 =	sld [smem:$0x3FB4];
	_ =	sdelay $0x3  }
0x36: {  	p1 =	seq.s32 s10, $0x1;
	s10 =	sld [smem:$0x3FB5];
	_ =	sdelay $0x3  }
0x37: {  	[smem:$0x3FB5] =	sst s10  }
0x38: {  	s10 =	sld [smem:$0x3FB6]  }
0x39: {  	_ = 	snop;
	(pc) =	sbr.ind lr, $3  }
0x3a: {  	_ = 	snop  }
0x3b: {  	_ = 	snop  }
0x3c: {  	p2 =	seq.s32 s10, $0x1;
	s10 =	sld [smem:$0x3FB5]  }
0x3d: {  	_ =	shalt  }
0x3e: {  	_ =	shalt  }
0x3f: {  	_ =	shalt  }
0x40: {  	_ =	shalt  }
0x41: {  	_ =	shalt  }
0x42: {  	_ =	shalt  }
0x43: {  	_ =	shalt  }
0x44: {  	_ =	shalt  }
0x45: {  	_ =	shalt  }
0x46: {  	_ =	shalt  }
0x47: {  	_ =	shalt  }
0x48: {  	_ =	shalt  }
0x49: {  	_ =	shalt  }
0x4a: {  	_ =	shalt  }
0x4b: {  	_ =	shalt  }
0x4c: {  	_ =	shalt  }
0x4d: {  	_ =	shalt  }
0x4e: {  	_ =	shalt  }
0x4f: {  	_ =	shalt  }
0x50: {  	_ =	shalt  }
0x51: {  	_ =	shalt  }
0x52: {  	_ =	shalt  }
0x53: {  	_ =	shalt  }
0x54: {  	_ =	shalt  }
0x55: {  	_ =	shalt  }
0x56: {  	_ =	shalt  }
0x57: {  	_ =	shalt  }
0x58: {  	_ =	shalt  }
0x59: {  	_ =	shalt  }
0x5a: {  	_ =	shalt  }
0x5b: {  	_ =	shalt  }
0x5c: {  	_ =	shalt  }
0x5d: {  	_ =	shalt  }
0x5e: {  	_ =	shalt  }
0x5f: {  	_ =	shalt  }
0x60: {  	_ =	shalt  }
0x61: {  	_ =	shalt  }
0x62: {  	_ =	shalt  }
0x63: {  	_ =	shalt  }
0x64: {  	_ =	shalt  }
0x65: {  	_ =	shalt  }
0x66: {  	_ =	shalt  }
0x67: {  	_ =	shalt  }
0x68: {  	_ =	shalt  }
0x69: {  	_ =	shalt  }
0x6a: {  	_ =	shalt  }
0x6b: {  	_ =	shalt  }
0x6c: {  	_ =	shalt  }
0x6d: {  	_ =	shalt  }
0x6e: {  	_ =	shalt  }
0x6f: {  	_ =	shalt  }
0x70: {  	_ =	shalt  }
0x71: {  	_ =	shalt  }
0x72: {  	_ =	shalt  }
0x73: {  	_ =	shalt  }
0x74: {  	_ =	shalt  }
0x75: {  	_ =	shalt  }
0x76: {  	_ =	shalt  }
0x77: {  	_ =	shalt  }
0x78: {  	_ =	shalt  }
0x79: {  	_ =	shalt  }
0x7a: {  	_ =	shalt  }
0x7b: {  	_ =	shalt  }
0x7c: {  	_ =	shalt  }
0x7d: {  	_ =	shalt  }
0x7e: {  	_ =	shalt  }
0x7f: {  	_ =	shalt  }
0x80: {  	_ =	shalt  }
0x81: {  	_ =	shalt  }
0x82: {  	_ =	shalt  }
0x83: {  	_ =	shalt  }
0x84: {  	_ =	shalt  }
0x85: {  	_ =	shalt  }
0x86: {  	_ =	shalt  }
0x87: {  	_ =	shalt  }
.Lfunc_end0:
.L_simem_size_0:
called_computation_lowered:
.L_overlay_start_0:
0x88: {  	s2 =	sld [smem:$0x3FD9]  }
0x89: {  	s3 =	sld [smem:$0x3FFE];
	_ =	sdelay $0x1  }
0x8a: {  	s1 =	srdreg.scid  }
0x8b: {  	s0 =	sand.u32 $0x1, s1  }
0x8c: {  	s14 =	sshll.u32 s0, $0xA;
	s2 =	sadd.s32 s3, s2  }
0x8d: {  	s2 =	sadd.s32 s2, s14  }
0x8e: {  	[smem:$0x3FC1] =	sst s2  }
0x8f: {  	_ = 	snop  }
0x90: {  	s2 =	sld [smem:$0x3FD0];
	_ =	sdelay $0x2  }
0x91: {  	s15 =	simm.s32 $0xA;
	s4 =	simm.s32 $0x10  }
0x92: {  	[smem:s4], [sflag:s15] =	dma.local [hbm:s2], $0x1  }
0x93: {  	_ =	swait.eq [sflag:s15], $0x1  }
0x94: {  	[sflag:s15] =	ssyncset.done $0x0  }
0x95: {  	[sflag:s15] =	ssyncadd.s32 $0xFFFFFFFF  }
0x96: {  	s16 =	sld [smem:$0x14];
	(tm) =	ssettm $0x1  }
0x97: {  	s17 =	sld [smem:$0x3FFB];
	_ =	sdelay $0x3  }
0x98: {  	_ =	strace s17  }
0x99: {  	s3 =	sld [smem:$0x3FFC];
	_ =	sdelay $0x3  }
0x9a: {  	_ =	strace s3  }
0x9b: {  	s3 =	sld [smem:$0x3FFD];
	_ =	sdelay $0x3  }
0x9c: {  	_ =	strace s3  }
0x9d: {  	_ =	strace $0x8FFFFFFF  }
0x9e: {  	s18 =	sld [smem:$0x3FDB];
	_ =	sdelay $0x1  }
0x9f: {  	s19 =	simm.s32 $_scs_section_size  }
0xa0: {  	s5 =	simm.s32 $_size__tile_overlayer_lowered;
	s6 =	simm.s32 $_tile_overlayer_lowered  }
0xa1: {  	s22 =	simm.s32 $0x1BFF;
	s21 =	sshll.u32 s6, $0x1;
	s3 =	sadd.s32 s19, s18  }
0xa2: {  	s7 =	simm.s32 $0x0;
	s20 =	sshll.u32 s5, $0x1;
	s5 =	sadd.s32 s21, s3  }
0xa3: {  	[timem:s7], [sflag:s22] =	dma.local [hbm:s5], s20  }
0xa4: {  	_ =	swait.ge [sflag:s22], s20  }
0xa5: {  	s4 =	ssub.s32 $0x0, s20;
	[sflag:s22] =	ssyncset.done $0x0  }
0xa6: {  	[sflag:s22] =	ssyncadd.s32 s4;
	_ =	sdelay $0x1  }
0xa7: {  	s23 =	simm.s32 $0x1B8B  }
0xa8: {  	_ =	swait.ge [sflag:s23], $0x1  }
0xa9: {  	[sflag:s23] =	ssyncset.done $0x0  }
0xaa: {  	s25 =	simm.s32 $0x1B8E;
	s24 =	sld [smem:$0x3FFE];
	[sflag:s23] =	ssyncadd.s32 $0xFFFFFFFF  }
0xab: {  	s26 =	simm.s32 $execute0_lowered;
	[smem:$0x3FD2] =	sst s25  }
0xac: {  	s5 =	sshll.u32 s26, $0x1;
	_ =	strace $0x80000046;
	[dreg:$0x1] =	wrdreg $0xFFFFFFFF  }
0xad: {  	s28 =	simm.s32 $_size_execute0_lowered;
	s3 =	sadd.s32 s3, s5;
	[dreg:$0x0] =	wrdreg $0x0  }
0xae: {  	s5 =	sshll.u32 s28, $0x1;
	[dreg:$0x2] =	wrdreg s3  }
0xaf: {  	[dreg:$0x3] =	wrdreg s5  }
0xb0: {  	[dreg:$0x4] =	wrdreg $0xC0  }
0xb1: {  	_ =	task [dreg:s7], $0x5FFFF  }
0xb2: {  	[dreg:$0x1] =	wrdreg $0xFFFFFFFF  }
0xb3: {  	[dreg:$0x0] =	wrdreg $0x60  }
0xb4: {  	[dreg:$0x2] =	wrdreg s24  }
0xb5: {  	[dreg:$0x3] =	wrdreg s16  }
0xb6: {  	[dreg:$0x4] =	wrdreg $0x89E00  }
0xb7: {  	[dreg:$0x5] =	wrdreg $0x89F00  }
0xb8: {  	[dreg:$0x6] =	wrdreg $0x9  }
0xb9: {  	_ =	task.clear_ibuf [dreg:s7], $0x7FFFF;
	_ =	strace $0x90000046  }
0xba: {  	s29 =	simm.s32 $0x9;
	_ =	strace $0x80000048  }
0xbb: {  	_ =	swait.ge [sflag:s29], $0x1  }
0xbc: {  	[sflag:s29] =	ssyncadd.s32 $0xFFFFFFFF  }
0xbd: {  	_ =	strace $0x90000048  }
0xbe: {  	_ =	sfence  }
0xbf: {  	s30 =	sld [smem:$0x0];
	_ =	sdelay $0x2  }
0xc0: {  	s31 =	sshll.u32 s1, $0xD;
	s1 =	sshrl.u32 s1, $0x2  }
0xc1: {  	s3 =	sand.u32 $0x4000, s31;
	s1 =	sadd.s32 s1, s30  }
0xc2: {  	s0 =	sor.u32 s3, s0;
	s1 =	sshll.u32 s1, $0x11  }
0xc3: {  	s0 =	sor.u32 s1, s0  }
0xc4: {  	s0 =	sadd.s32 $0x8F2B, s0  }
0xc5: {  	[sflag:s0] =	ssyncadd.remote.s32 $0x1  }
0xc6: {  	_ =	sfence.sel $0xFFFF  }
0xc7: {  	[dreg:$0x0] =	wrdreg $0xFFFFFFFF;
	(pc) =	sbr.abs _section_cstart, $3  }
0xc8: {  	[dreg:$0x1] =	wrdreg $0xFFFFFFFF  }
0xc9: {  	_ =	task.clear_ibuf [dreg:s7], $0x2FFFF;
	_ =	strace $0x9FFFFFFF  }
0xca: {  	(tm) =	ssettm $0x7FFFFFFF  }
0xcb: {  	_ =	shalt  }
tec
execute0_lowered:
.L_overlay_start_1:
0x0: {  	(tag) =	ssettag $0x1  }
0x1: {  	s0 =	rddreg [dreg:$0x0]  }
0x2: {  	s1 =	rddreg [dreg:$0x1]  }
0x3: {  	s2 =	rddreg [dreg:$0x2]  }
0x4: {  	s3 =	rddreg [dreg:$0x3];
	s5 =	stileid.u32  }
0x5: {  	s4 =	simm.s32 $0x0;
	s8 =	srdreg.scid;
	s12 =	simm.s32 $0x2  }
0x6: {  	s13 =	simm.s32 $0xB40;
	s14 =	simm.s32 $0x89D0;
	s15 =	simm.s32 $0x1A40  }
0x7: {  	s16 =	simm.s32 $0x1040;
	s17 =	simm.s32 $0x6A40;
	s18 =	simm.s32 $0x6A60  }
0x8: {  	s19 =	simm.s32 $0x1;
	s21 =	simm.s32 $0x6B60;
	s22 =	simm.s32 $0x6D60  }
0x9: {  	s28 =	simm.s32 $0x0;
	s6 =	smul.u32 $0x168, s5;
	[smem:$0x7FF] =	sst s4  }
0xa: {  	v0 =	vlaneseq.u32;
	v5 =	vimm.s32 $0x65432100;
	s7 =	smul.u32 $0xA0, s5;
	s8 =	sand.u32 $0x1, s8;
	s9 =	sadd.s32 $0x1200, s0  }
0xb: {  	v3 =	vimm.s32 $0x0;
	vm0 =	vmmov $0x1;
	vm1 =	vcmask $0x310;
	s26 =	sadd.s32 $0x5E00, s0;
	s10 =	smul.u32 $0xA00, s5;
	s30 =	sshll.u32 s5, $0x4  }
0xc: {  	vm2 =	vcmask $0xF0C;
	vm3 =	vcmask $0x1F00;
	vm4 =	vmxor vm4, vm4;
	s31 =	sshll.u32 s5, $0x7;
	_ =	strace $0x80000047;
	[dreg:$0x5] =	wrdreg s9  }
.Ltmp0:
0xd: {  	vm5 =	vcmask $0xF18;
	vm6 =	vcmask $0xF14;
	v7 =	vunpack.c.l.s4.s8 v5;
	p0 =	sne.s32 s5, $0x0;
	[dreg:$0x6] =	wrdreg s26;
	(pc) =	sbr.rel .LBB2_1-.Ltmp0, $4  }
0xe: {  	v2 =	vand.u32 $0x7, v0;
	v4 =	vmul.u32 $0x10, v0;
	v5 =	vimm.s32 $0x1;
	s8 =	ssub.s32 $0x2, s8;
	s20 =	sshrl.u32 s31, $0x2;
	s6 =	sadd.s32 s6, s0  }
0xf: {  	v9 =	vmul.u32 $0x8, v0;
	v2 =	vadd.s32 $0x1, v2;
	s7 =	sadd.s32 s7, s0;
	s0 =	sadd.s32 $0x5C00, s0;
	s29 =	sshrl.u32 s8, $0x1;
	v10 =	vunpack.c.0.s8.s32 v7  }
0x10: {  	v1 =	vmov s10;
	s10 =	sadd.s32 s30, s2;
	v6 =	vor.u32 $0x1, v4;
	v7 =	vor.u32 $0x2, v4;
	[dreg:$0x7] =	wrdreg s0;
	s0 =	ssub.s32 s8, s29  }
0x11: {  	v8 =	vor.u32 $0x3, v4;
	s8 =	sadd.s32 $0x3A00, s6;
	s9 =	sadd.s32 $0x5200, s7;
	s11 =	smax.u32 s0, $0x1;
	v10 =	vnsel vm3, $0x7, v10;
	vm3 =	vcmask $0x300  }
.LBB2_38:
.Ltmp1:
0x12: {  	(pc) =	sbr.rel @!p0 .LBB2_39-.Ltmp1, $1  }
0x13: {  	_ =	sdelay $0x3  }
.LBB2_42:
0x14: {  	s28 =	sadd.s32 $0x1, s28  }
0x15: {  	p1 =	sne.s32 s28, s11  }
.Ltmp2:
0x16: {  	_ = 	snop;
	(pc) =	sbr.rel @!p1 .LBB2_43-.Ltmp2, $1  }
0x17: {  	_ =	sdelay $0x3  }
.LBB2_1:
0x18: {  	[tilespmem:s4], [sflag:$0x2] =	stream.linear.gather [hbm4b:s8+s4], $0xB40, $0x38;
	[tilespmem:$0x8A70] =	vst v63  }
0x19: {  	_ =	swait.ge [sflag:s12], $0xB40  }
0x1a: {  	[sflag:s12] =	ssyncset.done $0x0  }
0x1b: {  	[sflag:s12] =	ssyncadd.s32 $0xFFFFF4C0  }
0x1c: {  	[tilespmem:s13], [sflag:$0x2] =	stream.linear.gather [hbm4b:s9+s4], $0x500, $0x38;
	[tilespmem:$0x8A70] =	vst v63  }
0x1d: {  	_ =	swait.ge [sflag:s12], $0x500  }
0x1e: {  	[sflag:s12] =	ssyncset.done $0x0  }
0x1f: {  	[sflag:s12] =	ssyncadd.s32 $0xFFFFFB00  }
0x20: {  	[tilespmem:s14], [sflag:$0x2] =	stream.linear.gather [hbm4b:s1+s4], $0x10, $0x38;
	[tilespmem:$0x8A70] =	vst v63  }
0x21: {  	_ =	swait.ge [sflag:s12], $0x10  }
0x22: {  	[sflag:s12] =	ssyncset.done $0x0  }
0x23: {  	s0 =	simm.s32 $0x0;
	[sflag:s12] =	ssyncadd.s32 $0xFFFFFFF0  }
.LBB2_2:
0x24: {  	p1 =	sne.s32 s0, $0x27C0  }
.Ltmp3:
0x25: {  	_ = 	snop;
	(pc) =	sbr.rel @p1 .LBB2_2-.Ltmp3, $3  }
0x26: {  	_ =	sdelay $0x1  }
0x27: {  	s5 =	sshra.s32 s0, $0x2;
	v11 =	vimm.f32 $-Inf  }
0x28: {  	s0 =	sadd.s32 $0x40, s0;
	[tilespmem:s5+$0x1040] =	vst v11  }
0x29: {  	s0 =	simm.s32 $0x0  }
0x2a: {  	v12 =	vor.u32 s0, v0  }
0x2b: {  	v14 =	vshrl.u32 v12, $0x3  }
0x2c: {  	v13 =	vmul.u32 $0x9, v14;
	_ =	sdelay $0x1  }
0x2d: {  	v13 =	vadd.s32 v2, v13;
	_ =	sdelay $0x4  }
0x2e: {  	v15 =	vld.idx.msk [tilespmem:v13+s4+$0x0], $0xffff;
	_ =	sdelay $0x4  }
0x2f: {  	vm7 =	vgt.f32 v15, $9.499999880e-01  }
0x30: {  	v13 =	vsel vm7, $0x1, v3  }
0x31: {  	(xrf0) =	vadd.scan.msk.s32 $0xffff, v13;
	_ =	sdelay $0x3  }
0x32: {  	v18 =	vadd.s32 v1, v12  }
0x33: {  	v12 =	vimm.s32 $0x7FFFFFFF;
	v16 =	vmpcnt.ones.xlane vm7;
	v13 =	vnsel vm7, $0x7FFFFFFF, v18  }
0x34: {  	v19 =	vimm.s32 $0x0;
	vm8 =	vlt.s32 v12, v13;
	v20, _, _ =	vpop (xrf0)  }
0x35: {  	v12 =	vsel vm8, v12, v13;
	v13 =	vadd.s32 v19, v16;
	v16 =	vadd.s32 v20, v19  }
0x36: {  	s31 =	simm.s32 $0x10  }
0x37: {  	v17 =	vor.u32 s31, v0  }
0x38: {  	s0 =	simm.s32 $0x20;
	vm7 =	vmmov vm7;
	v19 =	vshrl.u32 v17, $0x3;
	v20 =	vadd.s32 $0xFFFFFFFF, v16;
	v16 =	vmovc v13  }
.LBB2_4:
0x39: {  	p1 =	sne.s32 s0, $0x9F0;
	v21 =	vmul.u32 $0x9, v19;
	v22 =	vshll.u32 v20, $0x3;
	_ =	sdelay $0x1  }
0x3a: {  	v21 =	vadd.s32 v2, v21  }
0x3b: {  	v23 =	vshll.u32 v14, $0x2;
	v14 =	vmov v19  }
0x3c: {  	v19 =	vor.u32 $0x1, v23  }
0x3d: {  	[tilespmem:v22+s15+$0x0] =	vst.idx.msk vm7, v18;
	v18 =	vor.u32 $0x2, v23  }
0x3e: {  	[tilespmem:v20+s16+$0x0] =	vst.idx.msk vm7, v15;
	v20 =	vor.u32 $0x3, v23  }
0x3f: {  	v15 =	vld.idx.msk [tilespmem:v21+s4+$0x0], $0xffff  }
0x40: {  	v21 =	vld.idx.msk [tilespmem:v23+s13+$0x0], $0xffff  }
0x41: {  	v19 =	vld.idx.msk [tilespmem:v19+s13+$0x0], $0xffff  }
0x42: {  	v22 =	vld.idx.msk [tilespmem:v18+s13+$0x0], $0xffff  }
0x43: {  	v20 =	vld.idx.msk [tilespmem:v20+s13+$0x0], $0xffff;
	_ =	sdelay $0x1  }
0x44: {  	v18 =	vadd.s32 v1, v17;
	vm8 =	vgt.f32 v15, $9.499999880e-01  }
0x45: {  	v17 =	vsel vm8, $0x1, v3;
	v23 =	vmpcnt.ones.xlane vm8;
	v24 =	vnsel vm8, $0x7FFFFFFF, v18  }
0x46: {  	vm9 =	vlt.s32 v12, v24;
	(xrf0) =	vadd.scan.msk.s32 $0xffff, v17;
	v17 =	vmax.f32 v21, v19  }
0x47: {  	v12 =	vsel vm9, v12, v24;
	v13 =	vadd.s32 v13, v23  }
0x48: {  	v19 =	vmax.f32 v22, v20  }
0x49: {  	v17 =	vmax.f32 v17, v19  }
.Ltmp4:
0x4a: {  	v17 =	vmax.f32 v11, v17;
	(pc) =	sbr.rel @p1 .LBB2_4-.Ltmp4, $4  }
0x4b: {  	v11 =	vsel vm7, v17, v11;
	vm7 =	vmmov vm8  }
0x4c: {  	v19, _, _ =	vpop (xrf0)  }
0x4d: {  	v17 =	vor.u32 s0, v0;
	v20 =	vadd.s32 v19, v16;
	v16 =	vmov v13  }
0x4e: {  	s0 =	sadd.s32 $0x10, s0;
	v19 =	vshrl.u32 v17, $0x3;
	v20 =	vadd.s32 $0xFFFFFFFF, v20  }
0x4f: {  	v21 =	vmul.u32 $0x9, v19;
	v22 =	vshll.u32 v20, $0x3;
	_ =	sdelay $0x1  }
0x50: {  	v21 =	vadd.s32 v2, v21;
	_ =	sdelay $0x2  }
0x51: {  	[tilespmem:v22+s15+$0x0] =	vst.idx.msk vm7, v18  }
0x52: {  	[tilespmem:v20+s16+$0x0] =	vst.idx.msk vm7, v15  }
0x53: {  	v15 =	vld.idx.msk [tilespmem:v21+s4+$0x0], $0xffff;
	_ =	sdelay $0x4  }
0x54: {  	vm9 =	vgt.f32 v15, $9.499999880e-01  }
0x55: {  	v42 =	vsel vm9, $0x1, v3  }
0x56: {  	(xrf0) =	vadd.scan.msk.s32 $0xffff, v42;
	_ =	sdelay $0x5  }
0x57: {  	v14 =	vshll.u32 v14, $0x2;
	v44, _, _ =	vpop (xrf0)  }
0x58: {  	v43 =	vor.u32 $0x1, v14;
	v16 =	vadd.s32 v44, v16  }
0x59: {  	v45 =	vor.u32 $0x2, v14;
	v16 =	vadd.s32 $0xFFFFFFFF, v16  }
0x5a: {  	v46 =	vor.u32 $0x3, v14;
	v47 =	vshll.u32 v16, $0x3;
	_ =	sdelay $0x1  }
0x5b: {  	v48 =	vshll.u32 v19, $0x2;
	v14 =	vld.idx.msk [tilespmem:v14+s13+$0x0], $0xffff  }
0x5c: {  	v23 =	vor.u32 $0x1, v48;
	v18 =	vld.idx.msk [tilespmem:v43+s13+$0x0], $0xffff  }
0x5d: {  	v17 =	vadd.s32 v1, v17;
	v24 =	vor.u32 $0x2, v48;
	v21 =	vld.idx.msk [tilespmem:v45+s13+$0x0], $0xffff  }
0x5e: {  	v49 =	vor.u32 $0x3, v48;
	v20 =	vld.idx.msk [tilespmem:v46+s13+$0x0], $0xffff;
	[tilespmem:v47+s15+$0x0] =	vst.idx.msk vm9, v17  }
0x5f: {  	[tilespmem:v16+s16+$0x0] =	vst.idx.msk vm9, v15  }
0x60: {  	v15 =	vld.idx.msk [tilespmem:v48+s13+$0x0], $0xffff  }
0x61: {  	v16 =	vld.idx.msk [tilespmem:v23+s13+$0x0], $0xffff  }
0x62: {  	v50 =	vld.idx.msk [tilespmem:v24+s13+$0x0], $0xffff  }
0x63: {  	v22 =	vld.idx.msk [tilespmem:v49+s13+$0x0], $0xffff;
	_ =	sdelay $0x1  }
0x64: {  	v14 =	vmax.f32 v14, v18;
	v51 =	vmax.f32 v21, v20  }
0x65: {  	v52 =	vmpcnt.ones.xlane vm9;
	v14 =	vmax.f32 v14, v51  }
0x66: {  	vm8 =	vmmov vm9;
	v14 =	vmax.f32 v11, v14  }
0x67: {  	v13 =	vadd.s32 v13, v52;
	v15 =	vmax.f32 v15, v16;
	v53 =	vmax.f32 v50, v22  }
0x68: {  	v11 =	vsel vm7, v14, v11;
	v17 =	vnsel vm9, $0x7FFFFFFF, v17;
	v54 =	vmax.f32 v15, v53  }
0x69: {  	v13 =	vxor.u32 $0x80000000, v13;
	vm7 =	vlt.s32 v12, v17;
	v14 =	vmax.f32 v11, v54  }
0x6a: {  	(xrf0) =	vmax.scan.msk.u32 $0xffff, v13;
	v12 =	vsel vm7, v12, v17;
	v11 =	vsel vm8, v14, v11  }
0x6b: {  	v55 =	vld.msk [tilespmem:s16+$0x0], $0xffff;
	(xrf0) =	vmax.scan.msk.f32 $0xffff, v11;
	v11 =	vxor.u32 $0x80000000, v12  }
0x6c: {  	(xrf0) =	vmin.scan.msk.u32 $0xffff, v11;
	_ =	sdelay $0x3  }
0x6d: {  	v11, _, _ =	vpop (xrf0);
	(xrf0) =	vmax.scan.msk.f32 $0xffff, v55  }
0x6e: {  	v56, _, _ =	vpop (xrf0)  }
0x6f: {  	(v2sf) =	vpush v11, $0xF;
	v11, _, _ =	vpop (xrf0)  }
0x70: {  	(v2sf) =	vpush v11, $0xF;
	_ =	sdelay $0x2  }
0x71: {  	v11, _, _ =	vpop (xrf0)  }
0x72: {  	(v2sf) =	vpush v11, $0xF;
	_ =	sdelay $0x3  }
0x73: {  	v11 =	vld.idx.msk [tilespmem:v5+s4+$0x0], $0xffff;
	_ =	sdelay $0x4  }
0x74: {  	(xrf0) =	vmax.scan.msk.f32 $0xffff, v11  }
0x75: {  	s5 =	spop (v2sf)  }
0x76: {  	s0 =	spop (v2sf)  }
0x77: {  	s0 =	sxor.u32 $0x80000000, s0  }
0x78: {  	v11 =	vbroadcast v56, $0xF;
	v57 =	vmov s0  }
0x79: {  	v12 =	vbroadcast v57, $0x0  }
0x7a: {  	v11 =	vnsel vm0, $0x0, v11;
	p1 =	sgt.u32 s5, $0x80000000;
	v58, _, _ =	vpop (xrf0);
	s0 =	spop (v2sf)  }
0x7b: {  	vm7 =	veq.s32 v0, $0x2;
	v59 =	vbroadcast v58, $0xF;
	s0 =	simm.s32 @!p1 $0x0;
	v11 =	vsel vm1, v11, v12  }
0x7c: {  	v11 =	vsel vm7, s0, v11  }
0x7d: {  	v11 =	vsel vm2, v59, v11  }
0x7e: {  	[tilespmem:$0x6A40] =	vst v11  }
0x7f: {  	[spmem:s10] =	stream.linear.scatter [tilespmem:s17], [sflag:$0x2], $0x10, $0x38;
	[tilespmem:$0x8A70] =	vst v63  }
0x80: {  	_ =	swait.ge [sflag:s12], $0x10  }
0x81: {  	[sflag:s12] =	ssyncset.done $0x0  }
0x82: {  	[sflag:s12] =	ssyncadd.s32 $0xFFFFFFF0  }
0x83: {  	[bflag:$0x0] =	sbarrier.arrive $0xFFFF  }
0x84: {  	[tilespmem:s18], [sflag:$0x2] =	stream.linear.gather [spmem:s2], $0x100, $0x38;
	[tilespmem:$0x8A70] =	vst v63  }
0x85: {  	_ =	swait.ge [sflag:s12], $0x100  }
0x86: {  	[sflag:s12] =	ssyncset.done $0x0  }
0x87: {  	[sflag:s12] =	ssyncadd.s32 $0xFFFFFF00  }
0x88: {  	v11 =	vld.idx.msk [tilespmem:v6+s18+$0x0], $0xffff;
	_ =	sdelay $0x4  }
0x89: {  	v60 =	vxor.u32 $0x80000000, v11  }
0x8a: {  	(xrf0) =	vmin.scan.msk.u32 $0xffff, v60;
	_ =	sdelay $0x5  }
0x8b: {  	v12, _, _ =	vpop (xrf0)  }
0x8c: {  	(v2sf) =	vpush v12, $0xF;
	_ =	sdelay $0xd  }
0x8d: {  	v61 =	vld.idx.msk [tilespmem:v7+s18+$0x0], $0xffff  }
0x8e: {  	v62 =	vld.idx.msk [tilespmem:v8+s18+$0x0], $0xffff;
	s23 =	spop (v2sf)  }
0x8f: {  	s0 =	sxor.u32 $0x80000000, s23  }
0x90: {  	v63 =	vmov s0  }
0x91: {  	vm7 =	veq.s32 v63, v11  }
0x92: {  	v11 =	vnsel vm7, $0xFF800000, v61  }
0x93: {  	(xrf0) =	vmax.scan.msk.f32 $0xffff, v11;
	v11 =	vnsel vm0, $0xFF800000, v62  }
0x94: {  	(xrf0) =	vmax.scan.msk.f32 $0xffff, v11;
	_ =	sdelay $0x4  }
0x95: {  	v11, _, _ =	vpop (xrf0)  }
0x96: {  	(v2sf) =	vpush v11, $0xF;
	v11, _, _ =	vpop (xrf0)  }
0x97: {  	(v2sf) =	vpush v11, $0xF;
	_ =	sdelay $0x2  }
0x98: {  	s5 =	sadd.s32 $0x8000000F, s5  }
0x99: {  	s6 =	sand.u32 $0xF, s5  }
0x9a: {  	s7 =	sshra.s32 s5, $0x1F;
	p6 =	slt.s32 s5, $0x1;
	p2 =	sne.s32 s6, $0x0  }
0x9b: {  	s26 =	sshrl.u32 s7, $0x1C;
	p1 =	por !p6, !p2  }
0x9c: {  	s6 =	simm.s32 $0x1;
	s5 =	sadd.s32 s26, s5;
	p1 =	por !p1, !p1  }
0x9d: {  	s5 =	sshra.s32 s5, $0x4;
	s6 =	simm.s32 @!p1 $0x0  }
0x9e: {  	s29 =	ssub.s32 s5, s6  }
0x9f: {  	p1 =	slt.s32 s29, $0x1  }
.Ltmp5:
0xa0: {  	_ = 	snop;
	(pc) =	sbr.rel @p1 .LBB2_11-.Ltmp5, $3  }
0xa1: {  	_ =	sdelay $0x1  }
0xa2: {  	s30 =	spop (v2sf)  }
0xa3: {  	v11 =	vld.idx.msk [tilespmem:v4+s18+$0x0], $0xffff;
	s31 =	spop (v2sf)  }
0xa4: {  	_ =	sdelay $0x3  }
0xa5: {  	(xrf0) =	vmax.scan.msk.f32 $0xffff, v11;
	_ =	sdelay $0x5  }
0xa6: {  	v11, _, _ =	vpop (xrf0)  }
0xa7: {  	(v2sf) =	vpush v11, $0xF;
	_ =	sdelay $0xc  }
0xa8: {  	p3 =	seq.s32 s29, $0x1  }
.Ltmp6:
0xa9: {  	_ = 	snop;
	(pc) =	sbr.rel @p3 .LBB2_7-.Ltmp6, $4  }
0xaa: {  	s26 =	simm.s32 $0x0;
	s5 =	spop (v2sf)  }
0xab: {  	v12 =	vmov s26;
	s5 =	sadd.f32 $1.000000000e+00, s5  }
0xac: {  	v12 =	vshll.u32 v12, $0x3  }
0xad: {  	s25 =	sadd.s32 $0xFFFFFFFF, s29;
	p2 =	por $0x0, $0x0;
	v12 =	vor.u32 v9, v12;
	v11 =	vmov s5  }
0xae: {  	_ =	sdelay $0x3  }
0xaf: {  	v13 =	vld.idx.msk [tilespmem:v12+s15+$0x0], $0xffff;
	_ =	sdelay $0x4  }
0xb0: {  	v14 =	vsub.s32 v13, v1  }
0xb1: {  	vm7 =	vgt.s32 v14, $0x0  }
0xb2: {  	v14 =	vnsel vm7, $0x0, v14  }
0xb3: {  	v14 =	vmin.u32 v14, $0x9FF  }
0xb4: {  	v14 =	vshrl.u32 v14, $0x1  }
0xb5: {  	v15 =	vand.u32 $0x7FC, v14  }
0xb6: {  	v14 =	vor.u32 $0x3, v14  }
0xb7: {  	v16 =	vor.u32 $0x1, v15  }
0xb8: {  	v17 =	vor.u32 $0x2, v15;
	_ =	sdelay $0x1  }
0xb9: {  	v15 =	vld.idx.msk [tilespmem:v15+s13+$0x0], $0xffff  }
0xba: {  	v14 =	vld.idx.msk [tilespmem:v14+s13+$0x0], $0xffff  }
0xbb: {  	v13 =	vand.u32 $0x7, v13;
	v16 =	vld.idx.msk [tilespmem:v16+s13+$0x0], $0xffff  }
0xbc: {  	v13 =	vcvt.s32.f32 v13;
	v17 =	vld.idx.msk [tilespmem:v17+s13+$0x0], $0xffff  }
0xbd: {  	v18 =	vor.u32 $0x1, v12  }
0xbe: {  	v19 =	vor.u32 $0x2, v12;
	v13 =	vmul.f32 v13, v11  }
0xbf: {  	v20 =	vor.u32 $0x3, v12  }
0xc0: {  	v21 =	vor.u32 $0x4, v12;
	p3 =	seq.s32 s25, $0x1;
	v15 =	vadd.f32 v13, v15;
	v22 =	vadd.f32 v13, v14  }
.Ltmp7:
0xc1: {  	s24 =	simm.s32 $0x10;
	v16 =	vadd.f32 v13, v16;
	v14 =	vadd.f32 v13, v17;
	(pc) =	sbr.rel @p3 .LBB2_10-.Ltmp7, $4  }
0xc2: {  	v17 =	vmov s24;
	v13 =	vor.u32 $0x5, v12;
	[tilespmem:v18+s15+$0x0] =	vst.idx.msk $0xffff, v15  }
0xc3: {  	v12 =	vshll.u32 v17, $0x3;
	v63 =	vsub.f32 v22, v16;
	[tilespmem:v19+s15+$0x0] =	vst.idx.msk $0xffff, v16;
	v15 =	vsub.f32 v14, v15  }
0xc4: {  	v12 =	vor.u32 v9, v12;
	[tilespmem:v20+s15+$0x0] =	vst.idx.msk $0xffff, v14  }
0xc5: {  	s25 =	sadd.s32 $0xFFFFFFFF, s25;
	p2 =	por $0x1, $0x1;
	v14 =	vmax.f32 v63, $0.0e+00;
	[tilespmem:v21+s15+$0x0] =	vst.idx.msk $0xffff, v22;
	v15 =	vmax.f32 v15, $0.0e+00  }
.LBB2_9:
0xc6: {  	p3 =	seq.s32 s25, $0x1;
	s25 =	sadd.s32 $0xFFFFFFFF, s25;
	v14 =	vmul.f32 v14, v15;
	_ =	sdelay $0x1  }
0xc7: {  	[tilespmem:v13+s15+$0x0] =	vst.idx.msk $0xffff, v14  }
0xc8: {  	v13 =	vld.idx.msk [tilespmem:v12+s15+$0x0], $0xffff;
	_ =	sdelay $0x5  }
0xc9: {  	v14 =	vsub.s32 v13, v1;
	v13 =	vand.u32 $0x7, v13  }
0xca: {  	vm7 =	vgt.s32 v14, $0x0;
	v13 =	vcvt.s32.f32 v13  }
0xcb: {  	v14 =	vnsel vm7, $0x0, v14  }
0xcc: {  	v14 =	vmin.u32 v14, $0x9FF  }
0xcd: {  	v14 =	vshrl.u32 v14, $0x1  }
0xce: {  	v15 =	vand.u32 $0x7FC, v14;
	v14 =	vor.u32 $0x3, v14  }
0xcf: {  	v16 =	vor.u32 $0x1, v15;
	v17 =	vor.u32 $0x2, v15;
	_ =	sdelay $0x3  }
0xd0: {  	v15 =	vld.idx.msk [tilespmem:v15+s13+$0x0], $0xffff  }
0xd1: {  	v14 =	vld.idx.msk [tilespmem:v14+s13+$0x0], $0xffff  }
0xd2: {  	v16 =	vld.idx.msk [tilespmem:v16+s13+$0x0], $0xffff  }
0xd3: {  	v17 =	vld.idx.msk [tilespmem:v17+s13+$0x0], $0xffff  }
0xd4: {  	v18 =	vor.u32 $0x1, v12  }
0xd5: {  	v19 =	vor.u32 $0x2, v12;
	v13 =	vmul.f32 v13, v11  }
0xd6: {  	v20 =	vor.u32 $0x3, v12  }
0xd7: {  	v21 =	vor.u32 $0x4, v12;
	v15 =	vadd.f32 v13, v15  }
0xd8: {  	v22 =	vadd.f32 v13, v14;
	v16 =	vadd.f32 v13, v16  }
.Ltmp8:
0xd9: {  	s24 =	sadd.s32 $0x10, s24;
	v14 =	vadd.f32 v13, v17;
	[tilespmem:v18+s15+$0x0] =	vst.idx.msk $0xffff, v15;
	(pc) =	sbr.rel @!p3 .LBB2_9-.Ltmp8, $4  }
0xda: {  	v17 =	vmov s24;
	v13 =	vor.u32 $0x5, v12;
	v18 =	vsub.f32 v22, v16;
	[tilespmem:v19+s15+$0x0] =	vst.idx.msk $0xffff, v16  }
0xdb: {  	v12 =	vshll.u32 v17, $0x3;
	v15 =	vsub.f32 v14, v15;
	[tilespmem:v20+s15+$0x0] =	vst.idx.msk $0xffff, v14  }
0xdc: {  	v12 =	vor.u32 v9, v12;
	v14 =	vmax.f32 v18, $0.0e+00;
	[tilespmem:v21+s15+$0x0] =	vst.idx.msk $0xffff, v22  }
0xdd: {  	v15 =	vmax.f32 v15, $0.0e+00  }
.LBB2_10:
0xde: {  	_ =	sdelay $0x1  }
0xdf: {  	v14 =	vmul.f32 @p2 v14, v15;
	_ =	sdelay $0x1  }
0xe0: {  	[tilespmem:v13+s15+$0x0] =	vst.idx.msk @p2 $0xffff, v14  }
0xe1: {  	v13 =	vld.idx.msk [tilespmem:v12+s15+$0x0], $0xffff;
	_ =	sdelay $0x4  }
0xe2: {  	v57 =	vsub.s32 v13, v1  }
0xe3: {  	vm7 =	vgt.s32 v57, $0x0  }
0xe4: {  	v14 =	vnsel vm7, $0x0, v57  }
0xe5: {  	v14 =	vmin.u32 v14, $0x9FF  }
0xe6: {  	v14 =	vshrl.u32 v14, $0x1  }
0xe7: {  	v58 =	vand.u32 $0x7FC, v14  }
0xe8: {  	v14 =	vor.u32 $0x3, v14  }
0xe9: {  	v16 =	vor.u32 $0x1, v58  }
0xea: {  	v17 =	vor.u32 $0x2, v58;
	_ =	sdelay $0x1  }
0xeb: {  	v15 =	vld.idx.msk [tilespmem:v58+s13+$0x0], $0xffff  }
0xec: {  	v14 =	vld.idx.msk [tilespmem:v14+s13+$0x0], $0xffff  }
0xed: {  	v13 =	vand.u32 $0x7, v13;
	v16 =	vld.idx.msk [tilespmem:v16+s13+$0x0], $0xffff  }
0xee: {  	v13 =	vcvt.s32.f32 v13;
	v17 =	vld.idx.msk [tilespmem:v17+s13+$0x0], $0xffff;
	_ =	sdelay $0x1  }
0xef: {  	v11 =	vmul.f32 v13, v11  }
0xf0: {  	v59 =	vor.u32 $0x1, v12  }
0xf1: {  	v18 =	vor.u32 $0x2, v12;
	v15 =	vadd.f32 v11, v15;
	v14 =	vadd.f32 v11, v14  }
0xf2: {  	v19 =	vor.u32 $0x3, v12;
	v16 =	vadd.f32 v11, v16;
	v11 =	vadd.f32 v11, v17  }
0xf3: {  	v60 =	vor.u32 $0x4, v12  }
0xf4: {  	v61 =	vor.u32 $0x5, v12;
	v20 =	vsub.f32 v14, v16;
	v21 =	vsub.f32 v11, v15  }
0xf5: {  	[tilespmem:v59+s15+$0x0] =	vst.idx.msk $0xffff, v15  }
0xf6: {  	[tilespmem:v18+s15+$0x0] =	vst.idx.msk $0xffff, v16;
	v62 =	vmax.f32 v20, $0.0e+00;
	v63 =	vmax.f32 v21, $0.0e+00  }
0xf7: {  	[tilespmem:v19+s15+$0x0] =	vst.idx.msk $0xffff, v11;
	v11 =	vmul.f32 v62, v63  }
0xf8: {  	[tilespmem:v60+s15+$0x0] =	vst.idx.msk $0xffff, v14  }
0xf9: {  	[tilespmem:v61+s15+$0x0] =	vst.idx.msk $0xffff, v11  }
.LBB2_11:
0xfa: {  	p2 =	seq.s32 s23, $0xFFFFFFFF  }
0xfb: {  	s0 =	simm.s32 @p2 $0x0;
	s30 =	smov.u32 @p2 s31  }
0xfc: {  	s5 =	simm.s32 $0x0;
	v11 =	vmov s0;
	v12 =	vmov s30;
	s0 =	simm.s32 $0x40  }
.LBB2_12:
0xfd: {  	p2 =	sne.s32 s0, $0x1BC0;
	[tilespmem:s5+$0x6D60] =	vst v11;
	s6 =	smov.u32 s0;
	s0 =	sadd.s32 $0x40, s0  }
.Ltmp9:
0xfe: {  	[tilespmem:s5+$0x7460] =	vst v12;
	(pc) =	sbr.rel @p2 .LBB2_12-.Ltmp9, $2  }
0xff: {  	_ =	sdelay $0x2  }
0x100: {  	s5 =	sshra.s32 s6, $0x2  }
0x101: {  	[tilespmem:s5+$0x6D60] =	vst v11  }
0x102: {  	[tilespmem:s5+$0x7460] =	vst v12  }
0x103: {  	v11 =	vld [tilespmem:$0x89D0];
	_ =	sdelay $0x4  }
0x104: {  	v11 =	vxor.u32 $0x80000000, v11  }
0x105: {  	(xrf0) =	vmax.scan.msk.u32 $0xffff, v11;
	_ =	sdelay $0x5  }
0x106: {  	v11, _, _ =	vpop (xrf0)  }
0x107: {  	(v2sf) =	vpush v11, $0xF;
	_ =	sdelay $0xe  }
0x108: {  	s0 =	spop (v2sf)  }
0x109: {  	s30 =	sxor.u32 $0x80000000, s0  }
0x10a: {  	p2 =	slt.s32 s30, $0x1  }
.Ltmp10:
0x10b: {  	_ = 	snop;
	(pc) =	sbr.rel @p2 .LBB2_38-.Ltmp10, $1  }
0x10c: {  	_ =	sdelay $0x3  }
.Ltmp11:
0x10d: {  	(pc) =	sbr.rel .LBB2_15-.Ltmp11, $3  }
0x10e: {  	_ =	sdelay $0x1  }
0x10f: {  	p2 =	slt.s32 s30, $0x64  }
0x110: {  	s31 =	simm.s32 $0x0;
	s0 =	simm.s32 $0x0;
	s30 =	simm.s32 @!p2 $0x64  }
.LBB2_39:
0x111: {  	_ =	sdelay $0x3  }
0x112: {  	v11 =	vld.idx.msk [tilespmem:v4+s22+$0x0], $0xffff;
	_ =	sdelay $0x1  }
0x113: {  	v12 =	vor.u32 $0x100, v4;
	_ =	sdelay $0x2  }
0x114: {  	v11 =	vshra.s32 v11, $0x3  }
0x115: {  	[tilespmem:$0x7B60] =	vst v11  }
0x116: {  	v11 =	vld.idx.msk [tilespmem:v12+s22+$0x0], $0xffff;
	_ =	sdelay $0x1  }
0x117: {  	v12 =	vor.u32 $0x200, v4;
	_ =	sdelay $0x2  }
0x118: {  	v11 =	vshra.s32 v11, $0x3  }
0x119: {  	[tilespmem:$0x7B70] =	vst v11  }
0x11a: {  	v11 =	vld.idx.msk [tilespmem:v12+s22+$0x0], $0xffff;
	_ =	sdelay $0x1  }
0x11b: {  	v12 =	vor.u32 $0x300, v4;
	_ =	sdelay $0x2  }
0x11c: {  	v11 =	vshra.s32 v11, $0x3  }
0x11d: {  	[tilespmem:$0x7B80] =	vst v11  }
0x11e: {  	v11 =	vld.idx.msk [tilespmem:v12+s22+$0x0], $0xffff;
	_ =	sdelay $0x1  }
0x11f: {  	v12 =	vor.u32 $0x400, v4;
	_ =	sdelay $0x2  }
0x120: {  	v11 =	vshra.s32 v11, $0x3  }
0x121: {  	[tilespmem:$0x7B90] =	vst v11  }
0x122: {  	v11 =	vld.idx.msk [tilespmem:v12+s22+$0x0], $0xffff;
	_ =	sdelay $0x1  }
0x123: {  	v12 =	vor.u32 $0x500, v4;
	_ =	sdelay $0x2  }
0x124: {  	v11 =	vshra.s32 v11, $0x3  }
0x125: {  	[tilespmem:$0x7BA0] =	vst v11  }
0x126: {  	v11 =	vld.idx.msk [tilespmem:v12+s22+$0x0], $0xffff;
	_ =	sdelay $0x1  }
0x127: {  	v12 =	vor.u32 $0x600, v4;
	_ =	sdelay $0x2  }
0x128: {  	v11 =	vshra.s32 v11, $0x3  }
0x129: {  	[tilespmem:$0x7BB0] =	vst v11  }
0x12a: {  	v11 =	vld.idx.msk [tilespmem:v12+s22+$0x0], $0xffff;
	_ =	sdelay $0x4  }
0x12b: {  	s0 =	rddreg [dreg:$0x5];
	v11 =	vshra.s32 v11, $0x3  }
0x12c: {  	s5 =	simm.s32 $0x70;
	s6 =	simm.s32 $0x7B60;
	s7 =	simm.s32 $0x7BD0;
	[tilespmem:$0x7BC0] =	vst v11  }
0x12d: {  	[tilespmem:s7], [sflag:$0x1] =	stream.indirect.gather [hbm4b:s0+s5], $0x10, s6, s5, $0xb8;
	[tilespmem:$0x8A70] =	vst v63  }
0x12e: {  	_ =	swait.ge [sflag:s19], $0x700  }
0x12f: {  	[sflag:s19] =	ssyncset.done $0x0  }
0x130: {  	s0 =	simm.s32 $0x0;
	[sflag:s19] =	ssyncadd.s32 $0xFFFFF900  }
0x131: {  	v12 =	vld [tilespmem:s0+$0x6D60];
	_ =	sdelay $0x3  }
0x132: {  	s5 =	simm.s32 $0x40;
	v11 =	vld [tilespmem:s0+$0x7460]  }
.LBB2_40:
0x133: {  	s6 =	sshra.s32 s5, $0x2;
	p1 =	sne.s32 s5, $0x1BC0;
	s5 =	sadd.s32 $0x40, s5;
	v13 =	vand.u32 $0x7, v12  }
.Ltmp12:
0x134: {  	v12 =	vld [tilespmem:s6+$0x6D60];
	v13 =	vcvt.s32.f32 v13;
	(pc) =	sbr.rel @p1 .LBB2_40-.Ltmp12, $4  }
0x135: {  	_ = 	snop  }
0x136: {  	v13 =	vsel vm5, $0x0, v13  }
0x137: {  	v13 =	vsel vm6, v13, v11  }
0x138: {  	v11 =	vld [tilespmem:s6+$0x7460];
	[tilespmem:s0+$0x82D0] =	vst v13;
	s0 =	smov.u32 s6  }
0x139: {  	v12 =	vand.u32 $0x7, v12  }
0x13a: {  	v12 =	vcvt.s32.f32 v12;
	_ =	sdelay $0x1  }
0x13b: {  	v12 =	vsel vm5, $0x0, v12  }
0x13c: {  	v11 =	vsel vm6, v12, v11  }
0x13d: {  	s29 =	rddreg [dreg:$0x6];
	s5 =	simm.s32 $0x82D0;
	[tilespmem:s0+$0x82D0] =	vst v11  }
0x13e: {  	[hbm4b:s29+s4] =	stream.linear.scatter [tilespmem:s5], [sflag:$0x2], $0x700, $0x38;
	[tilespmem:$0x8A70] =	vst v63  }
0x13f: {  	_ =	swait.ge [sflag:s12], $0x700  }
0x140: {  	s31 =	simm.s32 $0x7BD0;
	[sflag:s12] =	ssyncset.done $0x0  }
.Ltmp13:
0x141: {  	s30 =	rddreg [dreg:$0x7];
	[sflag:s12] =	ssyncadd.s32 $0xFFFFF900;
	(pc) =	sbr.rel .LBB2_42-.Ltmp13, $4  }
0x142: {  	[hbm4b:s30+s4] =	stream.linear.scatter [tilespmem:s31], [sflag:$0x2], $0x700, $0x38;
	[tilespmem:$0x8A70] =	vst v63  }
0x143: {  	_ =	swait.ge [sflag:s12], $0x700  }
0x144: {  	[sflag:s12] =	ssyncset.done $0x0  }
0x145: {  	[sflag:s12] =	ssyncadd.s32 $0xFFFFF900  }
.LBB2_32:
0x146: {  	s24 =	simm.s32 $0x1040  }
.LBB2_36:
0x147: {  	v26 =	vor.u32 $0x3, v23;
	vm8 =	vmor @p3 vm9, vm8;
	vm9 =	vmand @p3 vm7, vm10  }
0x148: {  	v27 =	vor.u32 $0x2, v23;
	vm8 =	vmor @p3 vm8, vm9  }
0x149: {  	v28 =	vor.u32 $0x4, v23;
	v25 =	vsel @p3 vm8, $0xFF800000, v25  }
0x14a: {  	[tilespmem:s24+$0x0] =	vst @p3 v25  }
0x14b: {  	v24 =	vld.idx.msk [tilespmem:v24+s15+$0x0], $0xffff  }
0x14c: {  	v57 =	vor.u32 $0x5, v23;
	v25 =	vld.idx.msk [tilespmem:v26+s15+$0x0], $0xffff  }
0x14d: {  	v27 =	vld.idx.msk [tilespmem:v27+s15+$0x0], $0xffff  }
0x14e: {  	v28 =	vld.idx.msk [tilespmem:v28+s15+$0x0], $0xffff;
	_ =	sdelay $0x2  }
0x14f: {  	v26 =	vld.idx.msk [tilespmem:v57+s15+$0x0], $0xffff;
	v14 =	vmax.f32 v14, v24  }
0x150: {  	v19 =	vmax.f32 v19, v24;
	v15 =	vmin.f32 v15, v25;
	v21 =	vmin.f32 v21, v25  }
0x151: {  	v20 =	vmax.f32 v20, v27;
	v22 =	vmin.f32 v22, v28;
	v12 =	vmax.f32 v12, v27  }
0x152: {  	v13 =	vmin.f32 v13, v28;
	v19 =	vsub.f32 v21, v19;
	v20 =	vsub.f32 v22, v20  }
0x153: {  	v14 =	vsub.f32 v15, v14;
	v12 =	vsub.f32 v13, v12  }
0x154: {  	v18 =	vadd.f32 v26, v18;
	v58 =	vmax.f32 v19, $0.0e+00;
	v59 =	vmax.f32 v20, $0.0e+00  }
0x155: {  	v14 =	vmax.f32 v14, $0.0e+00;
	v12 =	vmax.f32 v12, $0.0e+00;
	v13 =	vmul.f32 v59, v58  }
0x156: {  	v60 =	vadd.f32 v26, v16;
	v12 =	vmul.f32 v12, v14  }
0x157: {  	v15 =	vsub.f32 v18, v13  }
0x158: {  	v14 =	vsub.f32 v60, v12  }
0x159: {  	v15 =	vmax.f32 v15, $9.999999970e-07  }
0x15a: {  	v14 =	vmax.f32 v14, $9.999999970e-07;
	(erf) = vrcp.f32 v15  }
0x15b: {  	(erf) = vrcp.f32 v14;
	_ =	sdelay $0x5  }
0x15c: {  	v61 =	vld.idx.msk [tilespmem:v23+s15+$0x0], $0xffff;
	_ =	sdelay $0x1  }
0x15d: {  	s5 =	sadd.s32 @p3 $0x10, s24;
	v15 =	vpop (erf)  }
0x15e: {  	s0 =	smov.u32 @p3 s5;
	v13 =	vmul.f32 v15, v13;
	v62 =	vpop (erf)  }
0x15f: {  	v63 =	vld [tilespmem:s0+$0x0];
	v12 =	vmul.f32 v62, v12  }
0x160: {  	vm13 =	veq.s32 v17, v61;
	vm8 =	vgt.f32 v13, $5.000000000e-01  }
0x161: {  	vm11 =	veq.s32 v11, v61;
	vm14 =	vgt.f32 v12, $5.000000000e-01;
	vm8 =	vmor vm13, vm8  }
0x162: {  	vm15 =	vmor vm11, vm14;
	vm7 =	vmand vm7, vm8  }
0x163: {  	vm7 =	vmor vm15, vm7  }
0x164: {  	v11 =	vsel vm7, $0xFF800000, v63  }
0x165: {  	[tilespmem:s0+$0x0] =	vst v11  }
.LBB2_37:
0x166: {  	s0 =	simm.s32 $0x1  }
0x167: {  	s0 =	simm.s32 @!p2 $0x0  }
0x168: {  	s0 =	sadd.s32 s0, s23  }
0x169: {  	p2 =	slt.s32 s0, s30  }
.Ltmp14:
0x16a: {  	_ = 	snop;
	(pc) =	sbr.rel @!p2 .LBB2_38-.Ltmp14, $2  }
0x16b: {  	_ =	sdelay $0x2  }
0x16c: {  	s31 =	sadd.s32 $0x1, s31  }
.LBB2_15:
.Ltmp15:
0x16d: {  	(pc) =	sbr.rel @p1 .LBB2_22-.Ltmp15, $3  }
0x16e: {  	_ =	sdelay $0x1  }
0x16f: {  	v12 =	vlaneseq.u32  }
0x170: {  	v13 =	vimm.f32 $-Inf;
	v16 =	vimm.f32 $-Inf;
	v15 =	vlaneseq.u32  }
0x171: {  	p3 =	sne.s32 s29, $0x1  }
.Ltmp16:
0x172: {  	_ = 	snop;
	(pc) =	sbr.rel @!p3 .LBB2_17-.Ltmp16, $2  }
0x173: {  	_ =	sdelay $0x2  }
0x174: {  	v11 =	vimm.s32 $0x0;
	s24 =	simm.s32 $0x1040;
	s23 =	simm.s32 $0x1;
	p2 =	por $0x0, $0x0  }
0x175: {  	v14 =	vld [tilespmem:s24+$0x0];
	p3 =	sne.s32 s29, $0x2  }
.Ltmp17:
0x176: {  	_ = 	snop;
	(pc) =	sbr.rel @!p3 .LBB2_19-.Ltmp17, $3  }
0x177: {  	_ =	sdelay $0x1  }
0x178: {  	s6 =	simm.s32 $0x2;
	s24 =	simm.s32 $0x1050  }
0x179: {  	p2 =	por $0x1, $0x1;
	v15 =	vimm.f32 $-Inf;
	s5 =	simm.s32 $0x0;
	v16 =	vimm.s32 $0x0;
	s7 =	simm.s32 $0x0;
	vm7 =	vgt.f32 v14, v13  }
.LBB2_20:
0x17a: {  	v16 =	vsel vm7, s5, v16;
	s5 =	smov.u32 s23;
	s23 =	smov.u32 s6;
	s6 =	sadd.s32 $0x1, s6  }
0x17b: {  	v15 =	vsel vm7, v14, v15;
	v14 =	vld [tilespmem:s24+$0x0];
	s7 =	sadd.s32 $0x10, s7;
	p3 =	sne.s32 s29, s6  }
.Ltmp18:
0x17c: {  	(pc) =	sbr.rel @p3 .LBB2_20-.Ltmp18, $2  }
0x17d: {  	_ =	sdelay $0x2  }
0x17e: {  	s24 =	sadd.s32 $0x10, s24;
	vm7 =	vgt.f32 v14, v15  }
.LBB2_21:
0x17f: {  	v17 =	vld [tilespmem:s24+$0x0];
	_ =	sdelay $0x2  }
0x180: {  	v14 =	vsel @p2 vm7, v14, v15  }
0x181: {  	v15 =	vsel @p2 vm7, s5, v16;
	v14 =	vpsel p2, v14, v13  }
0x182: {  	v11 =	vpsel p2, v15, v11;
	vm7 =	vgt.f32 v17, v14  }
0x183: {  	v11 =	vsel vm7, s23, v11  }
0x184: {  	v11 =	vshll.u32 v11, $0x4  }
0x185: {  	v16 =	vsel vm7, v17, v14;
	v15 =	vor.u32 v0, v11  }
.LBB2_22:
0x186: {  	v11 =	vshll.u32 v15, $0x3  }
0x187: {  	(xrf0) =	vmax.scan.msk.f32 $0xffff, v16;
	_ =	sdelay $0x3  }
0x188: {  	v17 =	vld.idx.msk [tilespmem:v11+s15+$0x0], $0xffff;
	_ =	sdelay $0x1  }
0x189: {  	v14, _, _ =	vpop (xrf0)  }
0x18a: {  	v11 =	vbroadcast v14, $0xF;
	_ =	sdelay $0x1  }
0x18b: {  	vm7 =	veq.f32 v16, v11;
	v62 =	vxor.u32 $0x80000000, v17  }
0x18c: {  	v16 =	vnsel vm7, $0xFFFFFFFF, v62  }
0x18d: {  	(xrf0) =	vmin.scan.msk.u32 $0xffff, v16;
	_ =	sdelay $0x5  }
0x18e: {  	v16, _, _ =	vpop (xrf0)  }
0x18f: {  	(v2sf) =	vpush v16, $0xF;
	_ =	sdelay $0xe  }
0x190: {  	s5 =	spop (v2sf)  }
0x191: {  	s5 =	sxor.u32 $0x80000000, s5  }
0x192: {  	v63 =	vmov s5  }
0x193: {  	vm8 =	veq.s32 v63, v17  }
0x194: {  	v15 =	vxor.u32 $0x80000000, v15;
	vm7 =	vmand vm7, vm8  }
0x195: {  	v15 =	vnsel vm7, $0xFFFFFFFF, v15  }
0x196: {  	(xrf0) =	vmin.scan.msk.u32 $0xffff, v15;
	_ =	sdelay $0x5  }
0x197: {  	v15, _, _ =	vpop (xrf0)  }
0x198: {  	(v2sf) =	vpush v15, $0xF;
	_ =	sdelay $0xe  }
.Ltmp19:
0x199: {  	s26 =	spop (v2sf);
	(pc) =	sbr.rel @p1 .LBB2_29-.Ltmp19, $4  }
0x19a: {  	s5 =	sxor.u32 $0x80000000, s26  }
0x19b: {  	p2 =	sgt.s32 s5, $0x0  }
0x19c: {  	s5 =	simm.s32 @!p2 $0x0  }
0x19d: {  	s23 =	smin.u32 s5, $0x9FF  }
0x19e: {  	(v2sf) =	vpush v14, $0xF;
	_ =	sdelay $0xd  }
0x19f: {  	p3 =	sne.s32 s29, $0x1  }
.Ltmp20:
0x1a0: {  	s5 =	spop (v2sf);
	(pc) =	sbr.rel @!p3 .LBB2_24-.Ltmp20, $4  }
0x1a1: {  	p2 =	sgt.f32 s5, $-Inf  }
0x1a2: {  	s5 =	smov.u32 s23  }
0x1a3: {  	s6 =	simm.s32 $0x1040;
	s5 =	simm.s32 @!p2 $0xFFFFFFFF  }
0x1a4: {  	v13 =	vimm.f32 $-Inf;
	v12 =	vimm.s32 $0x0;
	s24 =	simm.s32 $0x0;
	s25 =	simm.s32 $0x1;
	v15 =	vld [tilespmem:s6+$0x0];
	p2 =	por $0x0, $0x0;
	v14 =	vmov s5  }
0x1a5: {  	p3 =	sne.s32 s29, $0x2  }
.Ltmp21:
0x1a6: {  	_ = 	snop;
	(pc) =	sbr.rel @!p3 .LBB2_26-.Ltmp21, $4  }
0x1a7: {  	v16 =	vor.u32 s24, v0  }
0x1a8: {  	vm7 =	veq.s32 v16, v14  }
0x1a9: {  	s5 =	simm.s32 $0x2;
	s6 =	simm.s32 $0x1050;
	v18 =	vsel vm7, $0xFF800000, v15  }
0x1aa: {  	p2 =	por $0x1, $0x1;
	s26 =	simm.s32 $0x0;
	v17 =	vimm.s32 $0x0;
	s7 =	simm.s32 $0x0;
	v16 =	vimm.f32 $-Inf;
	v15 =	vld [tilespmem:s6+$0x0];
	vm7 =	vgt.f32 v18, v13  }
.LBB2_27:
0x1ab: {  	v17 =	vsel vm7, s26, v17;
	s26 =	smov.u32 s25;
	s25 =	smov.u32 s5;
	s5 =	sadd.s32 $0x1, s5  }
0x1ac: {  	v16 =	vsel vm7, v18, v16;
	s7 =	sadd.s32 $0x10, s7;
	p3 =	sne.s32 s29, s5  }
.Ltmp22:
0x1ad: {  	(pc) =	sbr.rel @p3 .LBB2_27-.Ltmp22, $4  }
0x1ae: {  	v18 =	vor.u32 s7, v0  }
0x1af: {  	vm7 =	veq.s32 v18, v14  }
0x1b0: {  	s6 =	sadd.s32 $0x10, s6;
	v18 =	vsel vm7, $0xFF800000, v15  }
0x1b1: {  	v15 =	vld [tilespmem:s6+$0x0];
	vm7 =	vgt.f32 v18, v16  }
.LBB2_28:
0x1b2: {  	s5 =	sadd.s32 @p2 $0x10, s7  }
0x1b3: {  	s24 =	smov.u32 @p2 s5  }
0x1b4: {  	v19 =	vor.u32 s24, v0  }
0x1b5: {  	v16 =	vsel @p2 vm7, v18, v16;
	vm8 =	veq.s32 v19, v14  }
0x1b6: {  	v13 =	vpsel p2, v16, v13;
	v14 =	vsel @p2 vm7, s26, v17;
	v15 =	vsel vm8, $0xFF800000, v15  }
0x1b7: {  	v12 =	vpsel p2, v14, v12;
	vm7 =	vgt.f32 v15, v13  }
0x1b8: {  	v12 =	vsel vm7, s25, v12  }
0x1b9: {  	v12 =	vshll.u32 v12, $0x4  }
0x1ba: {  	v13 =	vsel vm7, v15, v13;
	v12 =	vor.u32 v0, v12  }
.LBB2_29:
0x1bb: {  	v14 =	vshll.u32 v12, $0x3  }
0x1bc: {  	(xrf0) =	vmax.scan.msk.f32 $0xffff, v13;
	_ =	sdelay $0x3  }
0x1bd: {  	v14 =	vld.idx.msk [tilespmem:v14+s15+$0x0], $0xffff;
	_ =	sdelay $0x1  }
0x1be: {  	v15, _, _ =	vpop (xrf0)  }
0x1bf: {  	v15 =	vbroadcast v15, $0xF;
	_ =	sdelay $0x1  }
0x1c0: {  	vm7 =	veq.f32 v13, v15;
	v13 =	vxor.u32 $0x80000000, v14  }
0x1c1: {  	v13 =	vnsel vm7, $0xFFFFFFFF, v13  }
0x1c2: {  	(xrf0) =	vmin.scan.msk.u32 $0xffff, v13;
	_ =	sdelay $0x5  }
0x1c3: {  	v13, _, _ =	vpop (xrf0)  }
0x1c4: {  	(v2sf) =	vpush v13, $0xF;
	_ =	sdelay $0xe  }
0x1c5: {  	s5 =	spop (v2sf)  }
0x1c6: {  	s5 =	sxor.u32 $0x80000000, s5  }
0x1c7: {  	v13 =	vmov s5  }
0x1c8: {  	vm8 =	veq.s32 v13, v14  }
0x1c9: {  	v12 =	vxor.u32 $0x80000000, v12;
	vm7 =	vmand vm7, vm8  }
0x1ca: {  	v12 =	vnsel vm7, $0xFFFFFFFF, v12  }
0x1cb: {  	(xrf0) =	vmin.scan.msk.u32 $0xffff, v12;
	_ =	sdelay $0x5  }
0x1cc: {  	v12, _, _ =	vpop (xrf0)  }
0x1cd: {  	(v2sf) =	vpush v12, $0xF;
	_ =	sdelay $0xe  }
0x1ce: {  	s24 =	spop (v2sf)  }
0x1cf: {  	s5 =	sxor.u32 $0x80000000, s24  }
0x1d0: {  	p2 =	sgt.s32 s5, $0x0  }
0x1d1: {  	s5 =	simm.s32 @!p2 $0x0  }
0x1d2: {  	s6 =	sshll.u32 s23, $0x3;
	s5 =	smin.u32 s5, $0x9FF  }
0x1d3: {  	v12 =	vmov s6;
	s5 =	sshll.u32 s5, $0x3  }
0x1d4: {  	v12 =	vshrl.u32 v12, $0x3;
	v13 =	vmov s5  }
0x1d5: {  	v14 =	vsel vm3, $0x3, v3;
	v12 =	vshll.u32 v12, $0x3;
	v13 =	vshrl.u32 v13, $0x3  }
0x1d6: {  	v12 =	vbroadcast v12, $0x0;
	v13 =	vshll.u32 v13, v14  }
0x1d7: {  	v13 =	vbroadcast v13, $0x0  }
0x1d8: {  	v12 =	vor.u32 v10, v12  }
0x1d9: {  	v13 =	vor.u32 v10, v13;
	_ =	sdelay $0x3  }
0x1da: {  	v12 =	vld.idx.msk [tilespmem:v12+s15+$0x0], $0xffff  }
0x1db: {  	v13 =	vld.idx.msk [tilespmem:v13+s15+$0x0], $0xffff;
	_ =	sdelay $0x2  }
0x1dc: {  	s25 =	sshll.u32 s31, $0x9  }
0x1dd: {  	v11 =	vsel vm0, v11, v12;
	s5 =	sand.u32 $0x200, s25  }
0x1de: {  	s5 =	sadd.s32 s5, s3;
	[tilespmem:$0x6A40] =	vst v11;
	v12 =	vsel vm0, v15, v13  }
0x1df: {  	s26 =	sadd.s32 s20, s5;
	[tilespmem:$0x6A50] =	vst v12  }
0x1e0: {  	[spmem:s26] =	stream.linear.scatter [tilespmem:s17], [sflag:$0x2], $0x20, $0x38;
	[tilespmem:$0x8A70] =	vst v63  }
0x1e1: {  	_ =	swait.ge [sflag:s12], $0x20  }
0x1e2: {  	[sflag:s12] =	ssyncset.done $0x0  }
0x1e3: {  	v18 =	vmul.u32 $0x20, v0;
	[sflag:s12] =	ssyncadd.s32 $0xFFFFFFE0  }
0x1e4: {  	[bflag:$0x0] =	sbarrier.arrive $0xFFFF  }
0x1e5: {  	[tilespmem:s21], [sflag:$0x2] =	stream.linear.gather [spmem:s5], $0x200, $0x38;
	[tilespmem:$0x8A70] =	vst v63  }
0x1e6: {  	_ =	swait.ge [sflag:s12], $0x200  }
0x1e7: {  	[sflag:s12] =	ssyncset.done $0x0  }
0x1e8: {  	[sflag:s12] =	ssyncadd.s32 $0xFFFFFE00  }
0x1e9: {  	v17 =	vld.idx.msk [tilespmem:v18+s21+$0x0], $0xffff;
	_ =	sdelay $0x3  }
0x1ea: {  	v11 =	vor.u32 $0x1, v18  }
0x1eb: {  	(xrf0) =	vmax.scan.msk.f32 $0xffff, v17;
	_ =	sdelay $0x3  }
0x1ec: {  	v19 =	vld.idx.msk [tilespmem:v11+s21+$0x0], $0xffff;
	_ =	sdelay $0x1  }
0x1ed: {  	v11, _, _ =	vpop (xrf0)  }
0x1ee: {  	v23 =	vbroadcast v11, $0xF;
	_ =	sdelay $0x1  }
0x1ef: {  	v12 =	vxor.u32 $0x80000000, v19;
	vm8 =	veq.f32 v17, v23  }
0x1f0: {  	v12 =	vnsel vm8, $0xFFFFFFFF, v12  }
0x1f1: {  	(xrf0) =	vmin.scan.msk.u32 $0xffff, v12;
	_ =	sdelay $0x5  }
0x1f2: {  	(v2sf) =	vpush v11, $0xF;
	v11, _, _ =	vpop (xrf0)  }
0x1f3: {  	(v2sf) =	vpush v11, $0xF;
	_ =	sdelay $0xd  }
0x1f4: {  	s7 =	spop (v2sf)  }
0x1f5: {  	s24 =	spop (v2sf)  }
0x1f6: {  	s5 =	sxor.u32 $0x80000000, s24  }
0x1f7: {  	v11 =	vmov s5  }
0x1f8: {  	vm7 =	veq.s32 v11, v19  }
0x1f9: {  	v12 =	vor.u32 $0x80000000, v0;
	vm8 =	vmand vm8, vm7  }
0x1fa: {  	v12 =	vnsel vm8, $0x80000010, v12  }
0x1fb: {  	(xrf0) =	vmin.scan.msk.u32 $0xffff, v12;
	_ =	sdelay $0x5  }
0x1fc: {  	v12, _, _ =	vpop (xrf0)  }
0x1fd: {  	(v2sf) =	vpush v12, $0xF;
	_ =	sdelay $0xe  }
0x1fe: {  	s25 =	spop (v2sf)  }
0x1ff: {  	s5 =	sxor.u32 $0x80000000, s25  }
0x200: {  	p2 =	slt.s32 s5, $0xF  }
0x201: {  	s5 =	simm.s32 @!p2 $0xF  }
0x202: {  	s5 =	sshll.u32 s5, $0x5  }
0x203: {  	v12 =	vmov s5  }
0x204: {  	v21 =	vor.u32 $0x2, v18;
	v12 =	vshrl.u32 v12, $0x3  }
0x205: {  	v22 =	vor.u32 $0x3, v18;
	v16 =	vshll.u32 v12, v14  }
0x206: {  	v24 =	vor.u32 $0x4, v18;
	v25 =	vor.u32 $0x5, v18;
	v12 =	vor.u32 $0x2, v16  }
0x207: {  	v13 =	vor.u32 $0x3, v16;
	v14 =	vadd.s32 $0x4, v16;
	v12 =	vbroadcast v12, $0x0  }
0x208: {  	v13 =	vbroadcast v13, $0x0;
	v15 =	vbroadcast v14, $0x0;
	v14 =	vadd.s32 $0x5, v16  }
0x209: {  	v21 =	vld.idx.msk [tilespmem:v21+s21+$0x0], $0xffff;
	v20 =	vbroadcast v14, $0x0  }
0x20a: {  	v22 =	vld.idx.msk [tilespmem:v22+s21+$0x0], $0xffff  }
0x20b: {  	v26 =	vor.u32 $0x13, v18;
	v24 =	vld.idx.msk [tilespmem:v24+s21+$0x0], $0xffff  }
0x20c: {  	v25 =	vld.idx.msk [tilespmem:v25+s21+$0x0], $0xffff  }
0x20d: {  	v27 =	vor.u32 $0x14, v18;
	v14 =	vld.idx.msk [tilespmem:v12+s21+$0x0], $0xffff  }
0x20e: {  	v28 =	vor.u32 $0x15, v18;
	v12 =	vld.idx.msk [tilespmem:v13+s21+$0x0], $0xffff  }
0x20f: {  	v16 =	vadd.s32 $0x6, v16;
	v13 =	vld.idx.msk [tilespmem:v20+s21+$0x0], $0xffff;
	v20 =	vor.u32 $0x12, v18  }
0x210: {  	v26 =	vld.idx.msk [tilespmem:v26+s21+$0x0], $0xffff;
	v16 =	vbroadcast v16, $0x0  }
0x211: {  	v15 =	vld.idx.msk [tilespmem:v15+s21+$0x0], $0xffff  }
0x212: {  	v29 =	vor.u32 $0x6, v18;
	v27 =	vld.idx.msk [tilespmem:v27+s21+$0x0], $0xffff  }
0x213: {  	v30 =	vor.u32 $0x16, v18;
	v28 =	vld.idx.msk [tilespmem:v28+s21+$0x0], $0xffff  }
0x214: {  	v20 =	vld.idx.msk [tilespmem:v20+s21+$0x0], $0xffff;
	_ =	sdelay $0x1  }
0x215: {  	v16 =	vld.idx.msk [tilespmem:v16+s21+$0x0], $0xffff;
	v21 =	vmax.f32 v14, v21;
	v24 =	vmin.f32 v15, v24  }
0x216: {  	v22 =	vmax.f32 v12, v22;
	v21 =	vsub.f32 v24, v21;
	v24 =	vld.idx.msk [tilespmem:v29+s21+$0x0], $0xffff;
	v25 =	vmin.f32 v13, v25  }
0x217: {  	v63 =	vld.idx.msk [tilespmem:v30+s21+$0x0], $0xffff;
	v22 =	vsub.f32 v25, v22;
	v25 =	vmax.f32 v12, v26;
	v26 =	vmin.f32 v15, v27  }
0x218: {  	v27 =	vmin.f32 v13, v28;
	v21 =	vmax.f32 v21, $0.0e+00;
	v20 =	vmax.f32 v14, v20  }
0x219: {  	v25 =	vsub.f32 v27, v25;
	v22 =	vmax.f32 v22, $0.0e+00;
	v20 =	vsub.f32 v26, v20  }
0x21a: {  	v21 =	vmul.f32 v22, v21  }
0x21b: {  	v22 =	vadd.f32 v24, v16;
	v24 =	vmax.f32 v25, $0.0e+00;
	v20 =	vmax.f32 v20, $0.0e+00  }
0x21c: {  	v20 =	vmul.f32 v24, v20;
	v24 =	vadd.f32 v63, v16  }
0x21d: {  	v22 =	vsub.f32 v22, v21  }
0x21e: {  	v24 =	vsub.f32 v24, v20  }
0x21f: {  	v22 =	vmax.f32 v22, $9.999999970e-07  }
0x220: {  	(erf) = vrcp.f32 v22;
	v22 =	vmax.f32 v24, $9.999999970e-07  }
0x221: {  	(erf) = vrcp.f32 v22;
	_ =	sdelay $0x1  }
0x222: {  	v22 =	vor.u32 $0x11, v18;
	_ =	sdelay $0x1  }
0x223: {  	v24 =	vor.u32 $0x10, v18;
	_ =	sdelay $0x2  }
0x224: {  	v22 =	vld.idx.msk [tilespmem:v22+s21+$0x0], $0xffff  }
0x225: {  	v25 =	vpop (erf)  }
0x226: {  	v24 =	vld.idx.msk [tilespmem:v24+s21+$0x0], $0xffff;
	v21 =	vmul.f32 v25, v21;
	v25 =	vpop (erf)  }
0x227: {  	v20 =	vmul.f32 v25, v20  }
0x228: {  	vm8 =	vgt.f32 v21, $5.000000000e-01  }
0x229: {  	vm7 =	vmor vm7, vm8;
	vm9 =	veq.s32 v11, v22;
	vm8 =	vgt.f32 v20, $5.000000000e-01  }
0x22a: {  	v17 =	vsel vm7, $0xFF800000, v17;
	vm7 =	vmor vm9, vm8  }
0x22b: {  	vm14 =	vlt.f32 v24, $-Inf;
	v20 =	vsel vm7, $0xFF800000, v24  }
0x22c: {  	vm10 =	vgt.f32 v24, $-Inf;
	vm7 =	veq.f32 v17, $-Inf;
	vm8 =	veq.f32 v20, $-Inf  }
0x22d: {  	vm7 =	vmand vm7, vm8;
	vm8 =	vmor vm10, vm14  }
0x22e: {  	vm7 =	vmand vm8, vm7  }
0x22f: {  	v21 =	vsel vm7, $0x1, v3  }
0x230: {  	v21 =	vor.u32 $0x80000000, v21  }
0x231: {  	(xrf0) =	vmax.scan.msk.u32 $0xffff, v21;
	v21 =	vmax.f32 v17, v20  }
0x232: {  	(xrf0) =	vmax.scan.msk.f32 $0xffff, v21;
	_ =	sdelay $0x4  }
0x233: {  	v21, _, _ =	vpop (xrf0)  }
0x234: {  	v25, _, _ =	vpop (xrf0)  }
0x235: {  	v24 =	vbroadcast v25, $0xF;
	_ =	sdelay $0x1  }
0x236: {  	vm7 =	veq.f32 v20, v24  }
0x237: {  	v20 =	vnsel vm7, $0x7FFFFFFF, v22  }
0x238: {  	vm8 =	vlt.s32 v19, v20  }
0x239: {  	vm15 =	veq.f32 v17, v24;
	v17 =	vsel vm8, v19, v20  }
0x23a: {  	v17 =	vsel vm15, v17, v20  }
0x23b: {  	v17 =	vxor.u32 $0x80000000, v17  }
0x23c: {  	(xrf0) =	vmin.scan.msk.u32 $0xffff, v17;
	_ =	sdelay $0x4  }
0x23d: {  	(v2sf) =	vpush v21, $0xF  }
0x23e: {  	(v2sf) =	vpush v25, $0xF;
	v17, _, _ =	vpop (xrf0)  }
0x23f: {  	(v2sf) =	vpush v17, $0xF;
	_ =	sdelay $0xc  }
0x240: {  	s25 =	spop (v2sf)  }
0x241: {  	s24 =	spop (v2sf)  }
0x242: {  	s26 =	spop (v2sf)  }
0x243: {  	s5 =	sxor.u32 $0x80000000, s26  }
0x244: {  	v17 =	vmov s5  }
0x245: {  	vm8 =	veq.s32 v17, v22  }
0x246: {  	vm7 =	vmand vm7, vm8;
	vm8 =	veq.s32 v17, v19;
	v19 =	vor.u32 $0x80000010, v18  }
0x247: {  	v18 =	vor.u32 $0x80000000, v18;
	vm8 =	vmand vm15, vm8;
	v19 =	vnsel vm7, $0xFFFFFFFF, v19  }
0x248: {  	v18 =	vsel vm8, v18, v19  }
0x249: {  	(xrf0) =	vmin.scan.msk.u32 $0xffff, v18;
	_ =	sdelay $0x5  }
0x24a: {  	v18, _, _ =	vpop (xrf0)  }
0x24b: {  	(v2sf) =	vpush v18, $0xF;
	_ =	sdelay $0x6  }
0x24c: {  	p3 =	slt.f32 s7, $-Inf;
	p2 =	sgt.f32 s7, $-Inf  }
0x24d: {  	_ = 	snop  }
0x24e: {  	p3 =	por p2, p3  }
0x24f: {  	p3 =	por !p3, !p3  }
.Ltmp23:
0x250: {  	_ = 	snop;
	(pc) =	sbr.rel @p3 .LBB2_38-.Ltmp23, $2  }
0x251: {  	_ =	sdelay $0x2  }
0x252: {  	s5 =	spop (v2sf)  }
0x253: {  	s5 =	sxor.u32 $0x80000000, s5  }
0x254: {  	p3 =	sgt.s32 s5, $0x0  }
0x255: {  	s5 =	simm.s32 @!p3 $0x0  }
0x256: {  	s5 =	smin.u32 s5, $0x1F7  }
0x257: {  	s6 =	sadd.s32 $0x2, s5  }
0x258: {  	s26 =	sadd.s32 $0x3, s5;
	v18 =	vmov s6  }
0x259: {  	s7 =	sadd.s32 $0x4, s5;
	v19 =	vmov s26;
	v18 =	vbroadcast v18, $0x0  }
0x25a: {  	s23 =	sadd.s32 $0x5, s5;
	v20 =	vbroadcast v19, $0x0;
	v19 =	vmov s7  }
0x25b: {  	s5 =	sadd.s32 $0x6, s5;
	v21 =	vmov s23;
	v22 =	vbroadcast v19, $0x0  }
0x25c: {  	s23 =	sadd.s32 $0x1, s0;
	v25 =	vbroadcast v21, $0x0;
	v19 =	vmov s5  }
0x25d: {  	p6 =	seq.s32 s25, $0x80000000;
	p4 =	slt.s32 s23, s30;
	v26 =	vbroadcast v19, $0x0  }
0x25e: {  	p5 =	sgt.f32 s24, $-Inf;
	p3 =	por !p4, !p6  }
0x25f: {  	p3 =	por !p3, !p3;
	v19 =	vld.idx.msk [tilespmem:v18+s21+$0x0], $0xffff  }
0x260: {  	p3 =	por !p5, !p3;
	v20 =	vld.idx.msk [tilespmem:v20+s21+$0x0], $0xffff  }
0x261: {  	p3 =	por !p3, !p3;
	v21 =	vld.idx.msk [tilespmem:v22+s21+$0x0], $0xffff  }
.Ltmp24:
0x262: {  	s26 =	sshll.u32 s0, $0x4;
	p2 =	por !p2, !p3;
	v22 =	vld.idx.msk [tilespmem:v25+s21+$0x0], $0xffff;
	(pc) =	sbr.rel @p1 .LBB2_37-.Ltmp24, $4  }
0x263: {  	p2 =	por !p2, !p2;
	v18 =	vld.idx.msk [tilespmem:v26+s21+$0x0], $0xffff;
	[tilespmem:s26+$0x6D60] =	vst v11  }
0x264: {  	s0 =	sshll.u32 @p2 s23, $0x4;
	[tilespmem:s26+$0x7460] =	vst v23  }
0x265: {  	[tilespmem:s0+$0x6D60] =	vst @p2 v17  }
0x266: {  	[tilespmem:s0+$0x7460] =	vst @p2 v24  }
0x267: {  	p4 =	sne.s32 s29, $0x1  }
.Ltmp25:
0x268: {  	s0 =	simm.s32 $0x0;
	(pc) =	sbr.rel @!p4 .LBB2_32-.Ltmp25, $4  }
0x269: {  	v23 =	vmov s0  }
0x26a: {  	v23 =	vshll.u32 v23, $0x3  }
0x26b: {  	vm7 =	vmmov vm4;
	v23 =	vor.u32 v9, v23  }
0x26c: {  	s24 =	sadd.s32 $0xFFFFFFFF, s29;
	p3 =	por $0x0, $0x0;
	vm7 =	vmneg @p2 vm7;
	s0 =	simm.s32 $0x1040;
	v24 =	vor.u32 $0x1, v23  }
0x26d: {  	v25 =	vor.u32 $0x3, v23  }
0x26e: {  	v26 =	vor.u32 $0x2, v23  }
0x26f: {  	v27 =	vor.u32 $0x4, v23;
	_ =	sdelay $0x1  }
0x270: {  	v24 =	vld.idx.msk [tilespmem:v24+s15+$0x0], $0xffff  }
0x271: {  	v28 =	vor.u32 $0x5, v23;
	v25 =	vld.idx.msk [tilespmem:v25+s15+$0x0], $0xffff  }
0x272: {  	v26 =	vld.idx.msk [tilespmem:v26+s15+$0x0], $0xffff  }
0x273: {  	v27 =	vld.idx.msk [tilespmem:v27+s15+$0x0], $0xffff;
	_ =	sdelay $0x2  }
0x274: {  	v28 =	vld.idx.msk [tilespmem:v28+s15+$0x0], $0xffff;
	v29 =	vmax.f32 v14, v24  }
0x275: {  	v24 =	vmax.f32 v19, v24;
	v30 =	vmin.f32 v15, v25;
	v25 =	vmin.f32 v21, v25  }
0x276: {  	v31 =	vmax.f32 v20, v26;
	v32 =	vmin.f32 v22, v27;
	v24 =	vsub.f32 v25, v24  }
0x277: {  	v25 =	vmax.f32 v12, v26;
	v26 =	vmin.f32 v13, v27;
	v27 =	vsub.f32 v32, v31  }
0x278: {  	v29 =	vsub.f32 v30, v29;
	v25 =	vsub.f32 v26, v25  }
0x279: {  	v24 =	vmax.f32 v24, $0.0e+00;
	v26 =	vmax.f32 v27, $0.0e+00;
	v27 =	vadd.f32 v28, v18  }
0x27a: {  	v29 =	vmax.f32 v29, $0.0e+00;
	v25 =	vmax.f32 v25, $0.0e+00;
	v24 =	vmul.f32 v26, v24  }
0x27b: {  	v26 =	vadd.f32 v28, v16;
	v25 =	vmul.f32 v25, v29  }
0x27c: {  	v27 =	vsub.f32 v27, v24  }
0x27d: {  	v26 =	vsub.f32 v26, v25  }
0x27e: {  	v27 =	vmax.f32 v27, $9.999999970e-07  }
0x27f: {  	v26 =	vmax.f32 v26, $9.999999970e-07;
	(erf) = vrcp.f32 v27  }
0x280: {  	(erf) = vrcp.f32 v26;
	_ =	sdelay $0x5  }
0x281: {  	v26 =	vld.idx.msk [tilespmem:v23+s15+$0x0], $0xffff  }
0x282: {  	s26 =	simm.s32 $0x10;
	p4 =	sne.s32 s24, $0x1  }
.Ltmp26:
0x283: {  	v23 =	vmov s26;
	v27 =	vpop (erf);
	(pc) =	sbr.rel @!p4 .LBB2_34-.Ltmp26, $4  }
0x284: {  	v23 =	vshll.u32 v23, $0x3;
	v27 =	vmul.f32 v27, v24;
	v24 =	vpop (erf)  }
0x285: {  	v23 =	vor.u32 v9, v23;
	v63 =	vmul.f32 v24, v25;
	v25 =	vld [tilespmem:s0+$0x0]  }
0x286: {  	vm11 =	veq.s32 v17, v26;
	vm9 =	veq.s32 v11, v26;
	vm10 =	vgt.f32 v27, $5.000000000e-01  }
0x287: {  	s25 =	sadd.s32 $0xFFFFFFFF, s24;
	p3 =	por $0x1, $0x1;
	s24 =	simm.s32 $0x1040;
	v24 =	vor.u32 $0x1, v23;
	vm8 =	vgt.f32 v63, $5.000000000e-01;
	vm10 =	vmor vm11, vm10  }
.LBB2_35:
0x288: {  	p4 =	sne.s32 s25, $0x1;
	v26 =	vor.u32 $0x3, v23;
	vm8 =	vmor vm9, vm8;
	vm9 =	vmand vm7, vm10  }
0x289: {  	v27 =	vor.u32 $0x2, v23;
	vm8 =	vmor vm8, vm9  }
0x28a: {  	v28 =	vor.u32 $0x4, v23;
	v25 =	vsel vm8, $0xFF800000, v25  }
0x28b: {  	[tilespmem:s24+$0x0] =	vst v25  }
0x28c: {  	v24 =	vld.idx.msk [tilespmem:v24+s15+$0x0], $0xffff  }
0x28d: {  	v25 =	vld.idx.msk [tilespmem:v26+s15+$0x0], $0xffff;
	v26 =	vor.u32 $0x5, v23  }
0x28e: {  	v27 =	vld.idx.msk [tilespmem:v27+s15+$0x0], $0xffff  }
0x28f: {  	v28 =	vld.idx.msk [tilespmem:v28+s15+$0x0], $0xffff;
	_ =	sdelay $0x2  }
0x290: {  	v26 =	vld.idx.msk [tilespmem:v26+s15+$0x0], $0xffff  }
0x291: {  	v29 =	vmax.f32 v14, v24  }
0x292: {  	v24 =	vmax.f32 v19, v24;
	v30 =	vmin.f32 v15, v25;
	v25 =	vmin.f32 v21, v25  }
0x293: {  	v31 =	vmax.f32 v20, v27;
	v24 =	vsub.f32 v25, v24;
	v32 =	vmin.f32 v22, v28  }
0x294: {  	v25 =	vmax.f32 v12, v27;
	v27 =	vmin.f32 v13, v28;
	v28 =	vsub.f32 v32, v31  }
0x295: {  	v29 =	vsub.f32 v30, v29;
	v25 =	vsub.f32 v27, v25  }
0x296: {  	v24 =	vmax.f32 v24, $0.0e+00;
	v27 =	vmax.f32 v28, $0.0e+00;
	v28 =	vadd.f32 v26, v18  }
0x297: {  	v29 =	vmax.f32 v29, $0.0e+00;
	v25 =	vmax.f32 v25, $0.0e+00;
	v24 =	vmul.f32 v27, v24  }
0x298: {  	v27 =	vmul.f32 v25, v29;
	v25 =	vadd.f32 v26, v16  }
0x299: {  	v26 =	vsub.f32 v28, v24  }
0x29a: {  	v25 =	vsub.f32 v25, v27  }
0x29b: {  	v26 =	vmax.f32 v26, $9.999999970e-07  }
0x29c: {  	v25 =	vmax.f32 v25, $9.999999970e-07;
	(erf) = vrcp.f32 v26  }
0x29d: {  	(erf) = vrcp.f32 v25;
	_ =	sdelay $0x4  }
0x29e: {  	v26 =	vld.idx.msk [tilespmem:v23+s15+$0x0], $0xffff;
	_ =	sdelay $0x1  }
0x29f: {  	s26 =	sadd.s32 $0x10, s26  }
.Ltmp27:
0x2a0: {  	v23 =	vmov s26;
	v25 =	vpop (erf);
	(pc) =	sbr.rel @p4 .LBB2_35-.Ltmp27, $4  }
0x2a1: {  	s24 =	sadd.s32 $0x10, s24;
	v23 =	vshll.u32 v23, $0x3;
	v28 =	vmul.f32 v25, v24;
	v24 =	vpop (erf)  }
0x2a2: {  	v23 =	vor.u32 v9, v23;
	v25 =	vld [tilespmem:s24+$0x0];
	v27 =	vmul.f32 v24, v27  }
0x2a3: {  	v24 =	vor.u32 $0x1, v23;
	vm11 =	veq.s32 v17, v26;
	vm10 =	vgt.f32 v28, $5.000000000e-01  }
0x2a4: {  	s25 =	sadd.s32 $0xFFFFFFFF, s25;
	vm9 =	veq.s32 v11, v26;
	vm8 =	vgt.f32 v27, $5.000000000e-01;
	vm10 =	vmor vm11, vm10  }
.Ltmp28:
0x2a5: {  	_ = 	snop;
	(pc) =	sbr.rel .LBB2_36-.Ltmp28, $1  }
0x2a6: {  	_ =	sdelay $0x3  }
.LBB2_17:
.Ltmp29:
0x2a7: {  	(pc) =	sbr.rel .LBB2_21-.Ltmp29, $2  }
0x2a8: {  	_ =	sdelay $0x2  }
0x2a9: {  	v15 =	vimm.f32 $-Inf;
	v16 =	vimm.s32 $0x0;
	s23 =	simm.s32 $0x0  }
.LBB2_24:
.Ltmp30:
0x2aa: {  	(pc) =	sbr.rel .LBB2_28-.Ltmp30, $2  }
0x2ab: {  	_ =	sdelay $0x2  }
0x2ac: {  	v16 =	vimm.f32 $-Inf;
	v17 =	vimm.s32 $0x0;
	s7 =	simm.s32 $0x0;
	s25 =	simm.s32 $0x0  }
.LBB2_19:
.Ltmp31:
0x2ad: {  	(pc) =	sbr.rel .LBB2_21-.Ltmp31, $2  }
0x2ae: {  	_ =	sdelay $0x2  }
0x2af: {  	v15 =	vimm.f32 $-Inf;
	s5 =	simm.s32 $0x0;
	v16 =	vimm.s32 $0x0  }
.LBB2_26:
.Ltmp32:
0x2b0: {  	(pc) =	sbr.rel .LBB2_28-.Ltmp32, $2  }
0x2b1: {  	_ =	sdelay $0x2  }
0x2b2: {  	v16 =	vimm.f32 $-Inf;
	s26 =	simm.s32 $0x0;
	v17 =	vimm.s32 $0x0;
	s7 =	simm.s32 $0x0  }
.LBB2_34:
.Ltmp33:
0x2b3: {  	(pc) =	sbr.rel .LBB2_36-.Ltmp33, $2  }
0x2b4: {  	_ =	sdelay $0x2  }
0x2b5: {  	s24 =	simm.s32 $0x1040  }
.LBB2_7:
.Ltmp34:
0x2b6: {  	(pc) =	sbr.rel .LBB2_10-.Ltmp34, $2  }
0x2b7: {  	_ =	sdelay $0x2  }
0x2b8: {  	_ = 	snop  }
.LBB2_43:
0x2b9: {  	_ =	sfence.sel $0x180000  }
0x2ba: {  	[bflag:$0x0] =	sbarrier.arrive $0xFFFF  }
0x2bb: {  	_ =	strace $0x90000047  }
0x2bc: {  	[bflag:$0x2] =	sbarrier.arrive $0xFFFF  }
0x2bd: {  	s0 =	rddreg [dreg:$0x4]  }
0x2be: {  	s0 =	sadd.s32 @!p0 $0x100000, s0  }
0x2bf: {  	[sflag:s0] =	ssyncadd.tile.s32 @!p0 $0x1;
	_ =	shalt  }
.Lfunc_end2:
_tile_overlayer_lowered:
.L_overlay_start_2:
0x2c0: {  	(tag) =	ssettag $0x2  }
0x2c1: {  	s0 =	rddreg [dreg:$0x0];
	s2 =	stileid.u32  }
0x2c2: {  	s1 =	rddreg [dreg:$0x1];
	p0 =	sne.s32 s2, $0x0  }
0x2c3: {  	s3 =	rddreg [dreg:$0x2];
	[bflag:$0x3] =	sbarrier.arrive $0xFFFF;
	s2 =	simm.s32 @!p0 $0x1C02  }
0x2c4: {  	[timem:s3], [sflag:s2] =	dma.local @!p0 [hbm:s0], s1  }
0x2c5: {  	s0 =	simm.s32 @!p0 $0x2  }
0x2c6: {  	_ =	swait.ge @!p0 [sflag:s0], s1  }
0x2c7: {  	s1 =	ssub.s32 @!p0 $0x0, s1;
	[sflag:s0] =	ssyncset.done @!p0 $0x0  }
0x2c8: {  	[sflag:s0] =	ssyncadd.s32 @!p0 s1  }
0x2c9: {  	[bflag:$0x3] =	sbarrier.arrive $0xFFFF  }
0x2ca: {  	_ =	shalt  }

</sc_bundles>
